<compile_context>
chip_gen: v7x
topology: tpu7x:2x2x1
jax: 0.10.2.dev20260603
libtpu: 0.0.44.dev20260713+nightly
codegen_flags: <defaults>
</compile_context>

<pallas_src>
import functools

import jax
import jax.numpy as jnp
from jax import lax
from jax.experimental import pallas as pl
from jax.experimental.pallas import tpu as pltpu
from jax.experimental.pallas import tpu_sc as plsc

NC = 2
NS = 16
CH = 4000


def _round_up(a, b):
  return (a + b - 1) // b * b


def _sc_mesh():
  return plsc.VectorSubcoreMesh(core_axis_name="c", subcore_axis_name="s")


def _make_deg_kernel(T, nchunk):

  @functools.partial(
      pl.kernel,
      out_type=jax.ShapeDtypeStruct((NC, T), jnp.float32),
      mesh=_sc_mesh(),
      scratch_types=[
          pltpu.VMEM((CH,), jnp.int32),
          pltpu.VMEM((CH,), jnp.float32),
          pltpu.VMEM_SHARED((T,), jnp.float32),
      ],
  )
  def deg_kernel(dstv, ones, zeros, out, dst_v, ones_v, acc_sh):
    cid = lax.axis_index("c")
    sid = lax.axis_index("s")
    wid = sid * NC + cid
    rps = T // NS
    sub = pl.ds(sid * rps, rps)
    pltpu.sync_copy(ones, ones_v)
    pltpu.sync_copy(zeros.at[sub], acc_sh.at[sub])
    plsc.subcore_barrier()

    @pl.loop(0, nchunk)
    def _(i):
      off = (wid * nchunk + i) * CH
      pltpu.sync_copy(dstv.at[pl.ds(off, CH)], dst_v)
      pltpu.sync_copy(ones_v, acc_sh.at[dst_v], add=True)

    plsc.subcore_barrier()
    for c in range(NC):
      @pl.when(cid == c)
      def _():
        pltpu.sync_copy(acc_sh.at[sub], out.at[c, sub])

  return deg_kernel


def _make_agg_kernel(T, nchunk, width):

  @functools.partial(
      pl.kernel,
      out_type=jax.ShapeDtypeStruct((NC * width, T), jnp.float32),
      mesh=_sc_mesh(),
      scratch_types=[
          pltpu.VMEM((CH,), jnp.int32),
          pltpu.VMEM((CH,), jnp.int32),
          [pltpu.VMEM((CH,), jnp.float32)] * width,
          [pltpu.VMEM_SHARED((T,), jnp.float32)] * width,
          [pltpu.VMEM_SHARED((T,), jnp.float32)] * width,
          [pltpu.SemaphoreType.DMA] * width,
          [pltpu.SemaphoreType.DMA] * width,
      ],
  )
  def agg_kernel(srcv, dstv, *rest):
    planes = rest[:width]
    zeros = rest[width]
    out = rest[width + 1]
    src_v, dst_v, rows, acc_sh, table_sh, gsem, ssem = rest[width + 2:]
    cid = lax.axis_index("c")
    sid = lax.axis_index("s")
    wid = sid * NC + cid
    rps = T // NS
    sub = pl.ds(sid * rps, rps)
    for p in range(width):
      pltpu.sync_copy(zeros.at[sub], acc_sh[p].at[sub])
      pltpu.sync_copy(planes[p].at[sub], table_sh[p].at[sub])
    plsc.subcore_barrier()

    @pl.loop(0, nchunk)
    def _(i):
      off = (wid * nchunk + i) * CH
      pltpu.sync_copy(srcv.at[pl.ds(off, CH)], src_v)
      pltpu.sync_copy(dstv.at[pl.ds(off, CH)], dst_v)
      gd = [pltpu.async_copy(table_sh[p].at[src_v], rows[p], gsem[p])
            for p in range(width)]
      sd = []
      for p in range(width):
        gd[p].wait()
        sd.append(
            pltpu.async_copy(rows[p], acc_sh[p].at[dst_v], ssem[p], add=True))
      for p in range(width):
        sd[p].wait()

    plsc.subcore_barrier()
    for c in range(NC):
      @pl.when(cid == c)
      def _():
        for p in range(width):
          pltpu.sync_copy(acc_sh[p].at[sub], out.at[c * width + p, sub])

  return agg_kernel


def _tc1_body(x3t_ref, degp_ref, xs3t_ref, dist_ref):
  deg = degp_ref[0:1, :] + degp_ref[1:2, :] + 1.0
  dis = lax.rsqrt(jnp.maximum(deg, 1.0))
  dist_ref[...] = dis
  xs3t_ref[...] = x3t_ref[...] * dis


def _tc2_body(a0_ref, a1_ref, xs3t_ref, dist_ref, w1t_ref, b1_ref, w2t_ref,
              g2t_ref):
  agg = a0_ref[...] + a1_ref[...] + xs3t_ref[...]
  dis = dist_ref[...]
  h = jnp.dot(w1t_ref[...], agg, preferred_element_type=jnp.float32)
  h = dis * h + b1_ref[...]
  z = jnp.maximum(h, 0.0)
  p = jnp.dot(w2t_ref[...], z, preferred_element_type=jnp.float32)
  g2t_ref[...] = dis * p


def _tc3_body(a0_ref, a1_ref, g2t_ref, dist_ref, b2_ref, out_ref):
  agg = a0_ref[...] + a1_ref[...] + g2t_ref[...]
  out_ref[...] = dist_ref[...] * agg + b2_ref[...]


def kernel(x, edge_index, W1, b1, W2, b2):
  N = x.shape[0]
  E = edge_index.shape[1]
  F1 = W1.shape[1]

  E_pad = _round_up(E, NC * NS * CH)
  nchunk = E_pad // (NC * NS * CH)
  P = E_pad - E
  npad = 512 if P else 0
  T = _round_up(N + npad, 128 * NS)

  if P:
    pad_ar = jnp.arange(P, dtype=jnp.int32)
    srcv = jnp.concatenate([edge_index[0], N + (pad_ar % npad)])
    dstv = jnp.concatenate([edge_index[1], N + ((pad_ar + npad // 2) % npad)])
  else:
    srcv = edge_index[0]
    dstv = edge_index[1]

  x3t = jnp.pad(x, ((0, T - N), (0, 0))).T
  zeros = jnp.zeros((T,), jnp.float32)
  ones = jnp.ones((CH,), jnp.float32)

  degp = _make_deg_kernel(T, nchunk)(dstv, ones, zeros)

  xs3t, dist = pl.pallas_call(
      _tc1_body,
      out_shape=[
          jax.ShapeDtypeStruct((3, T), jnp.float32),
          jax.ShapeDtypeStruct((1, T), jnp.float32),
      ],
  )(x3t, degp)

  acc1f = _make_agg_kernel(T, nchunk, 3)(
      srcv, dstv, xs3t[0], xs3t[1], xs3t[2], zeros)

  g2t, = pl.pallas_call(
      _tc2_body,
      out_shape=[jax.ShapeDtypeStruct((1, T), jnp.float32)],
  )(acc1f[0:3], acc1f[3:6], xs3t, dist, W1.T, b1.reshape(F1, 1), W2.T)

  acc2f = _make_agg_kernel(T, nchunk, 1)(srcv, dstv, g2t.reshape(T), zeros)

  outt, = pl.pallas_call(
      _tc3_body,
      out_shape=[jax.ShapeDtypeStruct((1, T), jnp.float32)],
  )(acc2f[0:1], acc2f[1:2], g2t, dist, b2.reshape(1, 1))

  return outt.reshape(T, 1)[:N]

# --- scband reference (transcript-rebuilt; emitter-appended) ---
"""Pipeline reference for scband-gnn-32873679684030 (READ-ONLY COPY).

The authoritative reference and input builder live on the scoring server;
editing this copy changes nothing except your own understanding.
"""

import jax, jax.numpy as jnp
import numpy as np

N = 100000
E = 6400000


def _glorot(key, shape):
    fan_in, fan_out = shape[0], shape[1]
    limit = float(np.sqrt(6.0 / (fan_in + fan_out)))
    return jax.random.uniform(key, shape, minval=-limit, maxval=limit, dtype=jnp.float32)


def setup_inputs(seed: int = 0) -> dict:
    key = jax.random.key(seed)
    k1, k2, k3, k4 = jax.random.split(key, 4)
    x = jax.random.normal(k1, (N, 3), dtype=jnp.float32)
    edge_index = jax.random.randint(k2, (2, E), 0, N, dtype=jnp.int32)
    W1 = _glorot(k3, (3, 8))
    b1 = jnp.zeros((8,), dtype=jnp.float32)
    W2 = _glorot(k4, (8, 1))
    b2 = jnp.zeros((1,), dtype=jnp.float32)
    return {"x": x, "edge_index": edge_index, "W1": W1, "b1": b1, "W2": W2, "b2": b2}


def _gcn_conv(x, edge_index, W, b):
    # Faithful to torch_geometric GCNConv defaults: add self-loops + symmetric normalization,
    # linear transform, scatter-add aggregation, bias added after aggregation.
    n = x.shape[0]
    loops = jnp.arange(n, dtype=edge_index.dtype)
    src = jnp.concatenate([edge_index[0], loops])
    dst = jnp.concatenate([edge_index[1], loops])
    deg = jax.ops.segment_sum(jnp.ones_like(dst, dtype=x.dtype), dst, num_segments=n)
    deg_inv_sqrt = jax.lax.rsqrt(jnp.maximum(deg, 1.0))  # deg >= 1 due to self-loops
    norm = deg_inv_sqrt[src] * deg_inv_sqrt[dst]
    h = x @ W
    msgs = jnp.take(h, src, axis=0) * norm[:, None]
    out = jax.ops.segment_sum(msgs, dst, num_segments=n)
    return out + b


def reference(x, edge_index, W1, b1, W2, b2):
    h = jax.nn.relu(_gcn_conv(x, edge_index, W1, b1))
    out = _gcn_conv(h, edge_index, W2, b2)
    return out

if __name__ == "__main__":
    import jax
    _d = setup_inputs()
    print(jax.jit(kernel)(*tuple(_d.values())))

</pallas_src>

<mosaic_0001>
#map = affine_map<(d0, d1) -> (0)>
#map1 = affine_map<(d0, d1) -> (0, 0)>
module attributes {stable_mosaic.version = 14 : i64} {
  func.func @agg_kernel(%arg0: i32, %arg1: i32, %arg2: memref<6400000xi32, #tpu.memory_space<hbm>>, %arg3: memref<6400000xi32, #tpu.memory_space<hbm>>, %arg4: memref<100352xf32, #tpu.memory_space<hbm>>, %arg5: memref<100352xf32, #tpu.memory_space<hbm>>, %arg6: memref<2x100352xf32, #tpu.memory_space<hbm>>, %arg7: memref<4000xi32, #tpu.memory_space<vmem>>, %arg8: memref<4000xi32, #tpu.memory_space<vmem>>, %arg9: memref<4000xf32, #tpu.memory_space<vmem>>, %arg10: memref<100352xf32, #tpu.memory_space<vmem_shared>>, %arg11: memref<100352xf32, #tpu.memory_space<vmem_shared>>, %arg12: memref<!tpu.dma_semaphore, #tpu.memory_space<semaphore_mem>>, %arg13: memref<!tpu.dma_semaphore, #tpu.memory_space<semaphore_mem>>) attributes {dimension_semantics = [#tpu.dimension_semantics<core_parallel>, #tpu.dimension_semantics<subcore_parallel>], iteration_bounds = array<i64: 2, 16>, scalar_prefetch = 0 : i64, scratch_operands = 7 : i64, tpu.core_type = #tpu.core_type<sc_vector_subcore>, window_params = [{transform_indices = #map}, {transform_indices = #map}, {transform_indices = #map}, {transform_indices = #map}, {transform_indices = #map1}]} {
    %mul3A = arith.constant 2 : i32
    %mul3A_0 = arith.muli %arg1, %mul3A : i32
    %add3A = arith.addi %mul3A_0, %arg0 : i32
    %mul3A_1 = arith.constant 6272 : i32
    %mul3A_2 = arith.muli %arg1, %mul3A_1 : i32
    "tpu.region"() ({
      %run_scoped3A = tpu.sem_alloc : memref<!tpu.dma_semaphore, #tpu.memory_space<semaphore_mem>>
      %dma_start3A = tpu.memref_slice %arg10[%mul3A_2] : memref<100352xf32, #tpu.memory_space<vmem_shared>> -> memref<6272xf32, #tpu.memory_space<vmem_shared>>
      %dma_start3A_15 = tpu.memref_slice %arg5[%mul3A_2] : memref<100352xf32, #tpu.memory_space<hbm>> -> memref<6272xf32, #tpu.memory_space<hbm>>
      tpu.enqueue_dma source(%dma_start3A_15 : memref<6272xf32, #tpu.memory_space<hbm>>) target(%dma_start3A : memref<6272xf32, #tpu.memory_space<vmem_shared>>) target_semaphore(%run_scoped3A : memref<!tpu.dma_semaphore, #tpu.memory_space<semaphore_mem>>)
      %dma_wait3A = tpu.memref_slice %arg10[%mul3A_2] : memref<100352xf32, #tpu.memory_space<vmem_shared>> -> memref<6272xf32, #tpu.memory_space<vmem_shared>>
      %dma_wait3A_16 = tpu.memref_slice %arg5[%mul3A_2] : memref<100352xf32, #tpu.memory_space<hbm>> -> memref<6272xf32, #tpu.memory_space<hbm>>
      tpu.wait_dma2 semaphore(%run_scoped3A : memref<!tpu.dma_semaphore, #tpu.memory_space<semaphore_mem>>) src(%dma_wait3A_16 : memref<6272xf32, #tpu.memory_space<hbm>>) dst(%dma_wait3A : memref<6272xf32, #tpu.memory_space<vmem_shared>>)
      tpu.yield
    }) : () -> ()
    "tpu.region"() ({
      %run_scoped3A = tpu.sem_alloc : memref<!tpu.dma_semaphore, #tpu.memory_space<semaphore_mem>>
      %dma_start3A = tpu.memref_slice %arg11[%mul3A_2] : memref<100352xf32, #tpu.memory_space<vmem_shared>> -> memref<6272xf32, #tpu.memory_space<vmem_shared>>
      %dma_start3A_15 = tpu.memref_slice %arg4[%mul3A_2] : memref<100352xf32, #tpu.memory_space<hbm>> -> memref<6272xf32, #tpu.memory_space<hbm>>
      tpu.enqueue_dma source(%dma_start3A_15 : memref<6272xf32, #tpu.memory_space<hbm>>) target(%dma_start3A : memref<6272xf32, #tpu.memory_space<vmem_shared>>) target_semaphore(%run_scoped3A : memref<!tpu.dma_semaphore, #tpu.memory_space<semaphore_mem>>)
      %dma_wait3A = tpu.memref_slice %arg11[%mul3A_2] : memref<100352xf32, #tpu.memory_space<vmem_shared>> -> memref<6272xf32, #tpu.memory_space<vmem_shared>>
      %dma_wait3A_16 = tpu.memref_slice %arg4[%mul3A_2] : memref<100352xf32, #tpu.memory_space<hbm>> -> memref<6272xf32, #tpu.memory_space<hbm>>
      tpu.wait_dma2 semaphore(%run_scoped3A : memref<!tpu.dma_semaphore, #tpu.memory_space<semaphore_mem>>) src(%dma_wait3A_16 : memref<6272xf32, #tpu.memory_space<hbm>>) dst(%dma_wait3A : memref<6272xf32, #tpu.memory_space<vmem_shared>>)
      tpu.yield
    }) : () -> ()
    %barrier3A = arith.constant 0 : index
    tpu.barrier barrier_id(%barrier3A)
    %scan3A = arith.constant 0 : i32
    %scan3A_3 = arith.constant 50 : i32
    %scan3A_4 = arith.addi %scan3A, %scan3A_3 : i32
    %scan3A_5 = arith.constant 1 : i32
    scf.for %scan3A_15 = %scan3A to %scan3A_4 step %scan3A_5  : i32 {
      %mul3A_16 = arith.constant 1 : i32
      %mul3A_17 = arith.muli %scan3A_15, %mul3A_16 : i32
      %add3A_18 = arith.constant 0 : i32
      %add3A_19 = arith.addi %add3A_18, %mul3A_17 : i32
      %mul3A_20 = arith.constant 50 : i32
      %mul3A_21 = arith.muli %add3A, %mul3A_20 : i32
      %add3A_22 = arith.addi %mul3A_21, %add3A_19 : i32
      %mul3A_23 = arith.constant 4000 : i32
      %mul3A_24 = arith.muli %add3A_22, %mul3A_23 : i32
      "tpu.region"() ({
        %run_scoped3A = tpu.sem_alloc : memref<!tpu.dma_semaphore, #tpu.memory_space<semaphore_mem>>
        %dma_start3A_31 = tpu.memref_slice %arg2[%mul3A_24] : memref<6400000xi32, #tpu.memory_space<hbm>> -> memref<4000xi32, #tpu.memory_space<hbm>>
        %dma_start3A_32 = tpu.memref_slice %arg2[%mul3A_24] : memref<6400000xi32, #tpu.memory_space<hbm>> -> memref<4000xi32, #tpu.memory_space<hbm>>
        tpu.enqueue_dma source(%dma_start3A_32 : memref<4000xi32, #tpu.memory_space<hbm>>) target(%arg7 : memref<4000xi32, #tpu.memory_space<vmem>>) target_semaphore(%run_scoped3A : memref<!tpu.dma_semaphore, #tpu.memory_space<semaphore_mem>>)
        %dma_wait3A_33 = tpu.memref_slice %arg2[%mul3A_24] : memref<6400000xi32, #tpu.memory_space<hbm>> -> memref<4000xi32, #tpu.memory_space<hbm>>
        %dma_wait3A_34 = tpu.memref_slice %arg2[%mul3A_24] : memref<6400000xi32, #tpu.memory_space<hbm>> -> memref<4000xi32, #tpu.memory_space<hbm>>
        tpu.wait_dma2 semaphore(%run_scoped3A : memref<!tpu.dma_semaphore, #tpu.memory_space<semaphore_mem>>) src(%dma_wait3A_34 : memref<4000xi32, #tpu.memory_space<hbm>>) dst(%arg7 : memref<4000xi32, #tpu.memory_space<vmem>>)
        tpu.yield
      }) : () -> ()
      "tpu.region"() ({
        %run_scoped3A = tpu.sem_alloc : memref<!tpu.dma_semaphore, #tpu.memory_space<semaphore_mem>>
        %dma_start3A_31 = tpu.memref_slice %arg3[%mul3A_24] : memref<6400000xi32, #tpu.memory_space<hbm>> -> memref<4000xi32, #tpu.memory_space<hbm>>
        %dma_start3A_32 = tpu.memref_slice %arg3[%mul3A_24] : memref<6400000xi32, #tpu.memory_space<hbm>> -> memref<4000xi32, #tpu.memory_space<hbm>>
        tpu.enqueue_dma source(%dma_start3A_32 : memref<4000xi32, #tpu.memory_space<hbm>>) target(%arg8 : memref<4000xi32, #tpu.memory_space<vmem>>) target_semaphore(%run_scoped3A : memref<!tpu.dma_semaphore, #tpu.memory_space<semaphore_mem>>)
        %dma_wait3A_33 = tpu.memref_slice %arg3[%mul3A_24] : memref<6400000xi32, #tpu.memory_space<hbm>> -> memref<4000xi32, #tpu.memory_space<hbm>>
        %dma_wait3A_34 = tpu.memref_slice %arg3[%mul3A_24] : memref<6400000xi32, #tpu.memory_space<hbm>> -> memref<4000xi32, #tpu.memory_space<hbm>>
        tpu.wait_dma2 semaphore(%run_scoped3A : memref<!tpu.dma_semaphore, #tpu.memory_space<semaphore_mem>>) src(%dma_wait3A_34 : memref<4000xi32, #tpu.memory_space<hbm>>) dst(%arg8 : memref<4000xi32, #tpu.memory_space<vmem>>)
        tpu.yield
      }) : () -> ()
      %dma_start3A = arith.constant 0 : i32
      %dma_start3A_25 = tpu.memref_slice %arg11[%dma_start3A] : memref<100352xf32, #tpu.memory_space<vmem_shared>> -> memref<100352xf32, #tpu.memory_space<vmem_shared>>
      tpu.enqueue_indirect_dma source(%dma_start3A_25 : memref<100352xf32, #tpu.memory_space<vmem_shared>>) target(%arg9 : memref<4000xf32, #tpu.memory_space<vmem>>) offsets(%arg7 : memref<4000xi32, #tpu.memory_space<vmem>>) semaphore(%arg12 : memref<!tpu.dma_semaphore, #tpu.memory_space<semaphore_mem>>)
      %dma_wait3A = arith.constant 0 : i32
      %dma_wait3A_26 = tpu.memref_slice %arg11[%dma_wait3A] : memref<100352xf32, #tpu.memory_space<vmem_shared>> -> memref<100352xf32, #tpu.memory_space<vmem_shared>>
      tpu.wait_indirect_dma semaphore(%arg12 : memref<!tpu.dma_semaphore, #tpu.memory_space<semaphore_mem>>) src(%dma_wait3A_26 : memref<100352xf32, #tpu.memory_space<vmem_shared>>) dst(%arg9 : memref<4000xf32, #tpu.memory_space<vmem>>)
      %dma_start3A_27 = arith.constant 0 : i32
      %dma_start3A_28 = tpu.memref_slice %arg10[%dma_start3A_27] : memref<100352xf32, #tpu.memory_space<vmem_shared>> -> memref<100352xf32, #tpu.memory_space<vmem_shared>>
      tpu.enqueue_indirect_dma source(%arg9 : memref<4000xf32, #tpu.memory_space<vmem>>) target(%dma_start3A_28 : memref<100352xf32, #tpu.memory_space<vmem_shared>>) offsets(%arg8 : memref<4000xi32, #tpu.memory_space<vmem>>) semaphore(%arg13 : memref<!tpu.dma_semaphore, #tpu.memory_space<semaphore_mem>>) {add = true}
      %dma_wait3A_29 = arith.constant 0 : i32
      %dma_wait3A_30 = tpu.memref_slice %arg10[%dma_wait3A_29] : memref<100352xf32, #tpu.memory_space<vmem_shared>> -> memref<100352xf32, #tpu.memory_space<vmem_shared>>
      tpu.wait_indirect_dma semaphore(%arg13 : memref<!tpu.dma_semaphore, #tpu.memory_space<semaphore_mem>>) src(%arg9 : memref<4000xf32, #tpu.memory_space<vmem>>) dst(%dma_wait3A_30 : memref<100352xf32, #tpu.memory_space<vmem_shared>>)
    }
    %scan3A_6 = arith.constant 50 : i32
    %barrier3A_7 = arith.constant 0 : index
    tpu.barrier barrier_id(%barrier3A_7)
    %eq3A = arith.constant 0 : i32
    %eq3A_8 = arith.cmpi eq, %arg0, %eq3A : i32
    %convert_element_type3A = arith.extui %eq3A_8 : i1 to i32
    %cond3A = arith.constant 0 : i32
    %cond3A_9 = arith.cmpi ne, %convert_element_type3A, %cond3A : i32
    scf.if %cond3A_9 {
      %run_scoped3A = arith.constant 0 : i32
      "tpu.region"() ({
        %run_scoped3A_15 = tpu.sem_alloc : memref<!tpu.dma_semaphore, #tpu.memory_space<semaphore_mem>>
        %dma_start3A = tpu.memref_slice %arg6[%run_scoped3A, %mul3A_2] : memref<2x100352xf32, #tpu.memory_space<hbm>> -> memref<1x6272xf32, #tpu.memory_space<hbm>>
        %dma_start3A_16 = tpu.memref_squeeze %dma_start3A : memref<1x6272xf32, #tpu.memory_space<hbm>> -> memref<6272xf32, #tpu.memory_space<hbm>>
        %dma_start3A_17 = tpu.memref_slice %arg10[%mul3A_2] : memref<100352xf32, #tpu.memory_space<vmem_shared>> -> memref<6272xf32, #tpu.memory_space<vmem_shared>>
        tpu.enqueue_dma source(%dma_start3A_17 : memref<6272xf32, #tpu.memory_space<vmem_shared>>) target(%dma_start3A_16 : memref<6272xf32, #tpu.memory_space<hbm>>) target_semaphore(%run_scoped3A_15 : memref<!tpu.dma_semaphore, #tpu.memory_space<semaphore_mem>>)
        %dma_wait3A = tpu.memref_slice %arg6[%run_scoped3A, %mul3A_2] : memref<2x100352xf32, #tpu.memory_space<hbm>> -> memref<1x6272xf32, #tpu.memory_space<hbm>>
        %dma_wait3A_18 = tpu.memref_squeeze %dma_wait3A : memref<1x6272xf32, #tpu.memory_space<hbm>> -> memref<6272xf32, #tpu.memory_space<hbm>>
        %dma_wait3A_19 = tpu.memref_slice %arg10[%mul3A_2] : memref<100352xf32, #tpu.memory_space<vmem_shared>> -> memref<6272xf32, #tpu.memory_space<vmem_shared>>
        tpu.wait_dma2 semaphore(%run_scoped3A_15 : memref<!tpu.dma_semaphore, #tpu.memory_space<semaphore_mem>>) src(%dma_wait3A_19 : memref<6272xf32, #tpu.memory_space<vmem_shared>>) dst(%dma_wait3A_18 : memref<6272xf32, #tpu.memory_space<hbm>>)
        tpu.yield
      }) : () -> ()
    } else {
    }
    %eq3A_10 = arith.constant 1 : i32
    %eq3A_11 = arith.cmpi eq, %arg0, %eq3A_10 : i32
    %convert_element_type3A_12 = arith.extui %eq3A_11 : i1 to i32
    %cond3A_13 = arith.constant 0 : i32
    %cond3A_14 = arith.cmpi ne, %convert_element_type3A_12, %cond3A_13 : i32
    scf.if %cond3A_14 {
      %run_scoped3A = arith.constant 1 : i32
      "tpu.region"() ({
        %run_scoped3A_15 = tpu.sem_alloc : memref<!tpu.dma_semaphore, #tpu.memory_space<semaphore_mem>>
        %dma_start3A = tpu.memref_slice %arg6[%run_scoped3A, %mul3A_2] : memref<2x100352xf32, #tpu.memory_space<hbm>> -> memref<1x6272xf32, #tpu.memory_space<hbm>>
        %dma_start3A_16 = tpu.memref_squeeze %dma_start3A : memref<1x6272xf32, #tpu.memory_space<hbm>> -> memref<6272xf32, #tpu.memory_space<hbm>>
        %dma_start3A_17 = tpu.memref_slice %arg10[%mul3A_2] : memref<100352xf32, #tpu.memory_space<vmem_shared>> -> memref<6272xf32, #tpu.memory_space<vmem_shared>>
        tpu.enqueue_dma source(%dma_start3A_17 : memref<6272xf32, #tpu.memory_space<vmem_shared>>) target(%dma_start3A_16 : memref<6272xf32, #tpu.memory_space<hbm>>) target_semaphore(%run_scoped3A_15 : memref<!tpu.dma_semaphore, #tpu.memory_space<semaphore_mem>>)
        %dma_wait3A = tpu.memref_slice %arg6[%run_scoped3A, %mul3A_2] : memref<2x100352xf32, #tpu.memory_space<hbm>> -> memref<1x6272xf32, #tpu.memory_space<hbm>>
        %dma_wait3A_18 = tpu.memref_squeeze %dma_wait3A : memref<1x6272xf32, #tpu.memory_space<hbm>> -> memref<6272xf32, #tpu.memory_space<hbm>>
        %dma_wait3A_19 = tpu.memref_slice %arg10[%mul3A_2] : memref<100352xf32, #tpu.memory_space<vmem_shared>> -> memref<6272xf32, #tpu.memory_space<vmem_shared>>
        tpu.wait_dma2 semaphore(%run_scoped3A_15 : memref<!tpu.dma_semaphore, #tpu.memory_space<semaphore_mem>>) src(%dma_wait3A_19 : memref<6272xf32, #tpu.memory_space<vmem_shared>>) dst(%dma_wait3A_18 : memref<6272xf32, #tpu.memory_space<hbm>>)
        tpu.yield
      }) : () -> ()
    } else {
    }
    return
  }
}

#map = affine_map<(d0, d1) -> (0)>
#map1 = affine_map<(d0, d1) -> (0, 0)>
module attributes {stable_mosaic.version = 14 : i64} {
  func.func @agg_kernel(%arg0: i32, %arg1: i32, %arg2: memref<6400000xi32, #tpu.memory_space<hbm>>, %arg3: memref<6400000xi32, #tpu.memory_space<hbm>>, %arg4: memref<100352xf32, #tpu.memory_space<hbm>>, %arg5: memref<100352xf32, #tpu.memory_space<hbm>>, %arg6: memref<100352xf32, #tpu.memory_space<hbm>>, %arg7: memref<100352xf32, #tpu.memory_space<hbm>>, %arg8: memref<6x100352xf32, #tpu.memory_space<hbm>>, %arg9: memref<4000xi32, #tpu.memory_space<vmem>>, %arg10: memref<4000xi32, #tpu.memory_space<vmem>>, %arg11: memref<4000xf32, #tpu.memory_space<vmem>>, %arg12: memref<4000xf32, #tpu.memory_space<vmem>>, %arg13: memref<4000xf32, #tpu.memory_space<vmem>>, %arg14: memref<100352xf32, #tpu.memory_space<vmem_shared>>, %arg15: memref<100352xf32, #tpu.memory_space<vmem_shared>>, %arg16: memref<100352xf32, #tpu.memory_space<vmem_shared>>, %arg17: memref<100352xf32, #tpu.memory_space<vmem_shared>>, %arg18: memref<100352xf32, #tpu.memory_space<vmem_shared>>, %arg19: memref<100352xf32, #tpu.memory_space<vmem_shared>>, %arg20: memref<!tpu.dma_semaphore, #tpu.memory_space<semaphore_mem>>, %arg21: memref<!tpu.dma_semaphore, #tpu.memory_space<semaphore_mem>>, %arg22: memref<!tpu.dma_semaphore, #tpu.memory_space<semaphore_mem>>, %arg23: memref<!tpu.dma_semaphore, #tpu.memory_space<semaphore_mem>>, %arg24: memref<!tpu.dma_semaphore, #tpu.memory_space<semaphore_mem>>, %arg25: memref<!tpu.dma_semaphore, #tpu.memory_space<semaphore_mem>>) attributes {dimension_semantics = [#tpu.dimension_semantics<core_parallel>, #tpu.dimension_semantics<subcore_parallel>], iteration_bounds = array<i64: 2, 16>, scalar_prefetch = 0 : i64, scratch_operands = 17 : i64, tpu.core_type = #tpu.core_type<sc_vector_subcore>, window_params = [{transform_indices = #map}, {transform_indices = #map}, {transform_indices = #map}, {transform_indices = #map}, {transform_indices = #map}, {transform_indices = #map}, {transform_indices = #map1}]} {
    %mul3A = arith.constant 2 : i32
    %mul3A_0 = arith.muli %arg1, %mul3A : i32
    %add3A = arith.addi %mul3A_0, %arg0 : i32
    %mul3A_1 = arith.constant 6272 : i32
    %mul3A_2 = arith.muli %arg1, %mul3A_1 : i32
    "tpu.region"() ({
      %run_scoped3A = tpu.sem_alloc : memref<!tpu.dma_semaphore, #tpu.memory_space<semaphore_mem>>
      %dma_start3A = tpu.memref_slice %arg14[%mul3A_2] : memref<100352xf32, #tpu.memory_space<vmem_shared>> -> memref<6272xf32, #tpu.memory_space<vmem_shared>>
      %dma_start3A_15 = tpu.memref_slice %arg7[%mul3A_2] : memref<100352xf32, #tpu.memory_space<hbm>> -> memref<6272xf32, #tpu.memory_space<hbm>>
      tpu.enqueue_dma source(%dma_start3A_15 : memref<6272xf32, #tpu.memory_space<hbm>>) target(%dma_start3A : memref<6272xf32, #tpu.memory_space<vmem_shared>>) target_semaphore(%run_scoped3A : memref<!tpu.dma_semaphore, #tpu.memory_space<semaphore_mem>>)
      %dma_wait3A = tpu.memref_slice %arg14[%mul3A_2] : memref<100352xf32, #tpu.memory_space<vmem_shared>> -> memref<6272xf32, #tpu.memory_space<vmem_shared>>
      %dma_wait3A_16 = tpu.memref_slice %arg7[%mul3A_2] : memref<100352xf32, #tpu.memory_space<hbm>> -> memref<6272xf32, #tpu.memory_space<hbm>>
      tpu.wait_dma2 semaphore(%run_scoped3A : memref<!tpu.dma_semaphore, #tpu.memory_space<semaphore_mem>>) src(%dma_wait3A_16 : memref<6272xf32, #tpu.memory_space<hbm>>) dst(%dma_wait3A : memref<6272xf32, #tpu.memory_space<vmem_shared>>)
      tpu.yield
    }) : () -> ()
    "tpu.region"() ({
      %run_scoped3A = tpu.sem_alloc : memref<!tpu.dma_semaphore, #tpu.memory_space<semaphore_mem>>
      %dma_start3A = tpu.memref_slice %arg17[%mul3A_2] : memref<100352xf32, #tpu.memory_space<vmem_shared>> -> memref<6272xf32, #tpu.memory_space<vmem_shared>>
      %dma_start3A_15 = tpu.memref_slice %arg4[%mul3A_2] : memref<100352xf32, #tpu.memory_space<hbm>> -> memref<6272xf32, #tpu.memory_space<hbm>>
      tpu.enqueue_dma source(%dma_start3A_15 : memref<6272xf32, #tpu.memory_space<hbm>>) target(%dma_start3A : memref<6272xf32, #tpu.memory_space<vmem_shared>>) target_semaphore(%run_scoped3A : memref<!tpu.dma_semaphore, #tpu.memory_space<semaphore_mem>>)
      %dma_wait3A = tpu.memref_slice %arg17[%mul3A_2] : memref<100352xf32, #tpu.memory_space<vmem_shared>> -> memref<6272xf32, #tpu.memory_space<vmem_shared>>
      %dma_wait3A_16 = tpu.memref_slice %arg4[%mul3A_2] : memref<100352xf32, #tpu.memory_space<hbm>> -> memref<6272xf32, #tpu.memory_space<hbm>>
      tpu.wait_dma2 semaphore(%run_scoped3A : memref<!tpu.dma_semaphore, #tpu.memory_space<semaphore_mem>>) src(%dma_wait3A_16 : memref<6272xf32, #tpu.memory_space<hbm>>) dst(%dma_wait3A : memref<6272xf32, #tpu.memory_space<vmem_shared>>)
      tpu.yield
    }) : () -> ()
    "tpu.region"() ({
      %run_scoped3A = tpu.sem_alloc : memref<!tpu.dma_semaphore, #tpu.memory_space<semaphore_mem>>
      %dma_start3A = tpu.memref_slice %arg15[%mul3A_2] : memref<100352xf32, #tpu.memory_space<vmem_shared>> -> memref<6272xf32, #tpu.memory_space<vmem_shared>>
      %dma_start3A_15 = tpu.memref_slice %arg7[%mul3A_2] : memref<100352xf32, #tpu.memory_space<hbm>> -> memref<6272xf32, #tpu.memory_space<hbm>>
      tpu.enqueue_dma source(%dma_start3A_15 : memref<6272xf32, #tpu.memory_space<hbm>>) target(%dma_start3A : memref<6272xf32, #tpu.memory_space<vmem_shared>>) target_semaphore(%run_scoped3A : memref<!tpu.dma_semaphore, #tpu.memory_space<semaphore_mem>>)
      %dma_wait3A = tpu.memref_slice %arg15[%mul3A_2] : memref<100352xf32, #tpu.memory_space<vmem_shared>> -> memref<6272xf32, #tpu.memory_space<vmem_shared>>
      %dma_wait3A_16 = tpu.memref_slice %arg7[%mul3A_2] : memref<100352xf32, #tpu.memory_space<hbm>> -> memref<6272xf32, #tpu.memory_space<hbm>>
      tpu.wait_dma2 semaphore(%run_scoped3A : memref<!tpu.dma_semaphore, #tpu.memory_space<semaphore_mem>>) src(%dma_wait3A_16 : memref<6272xf32, #tpu.memory_space<hbm>>) dst(%dma_wait3A : memref<6272xf32, #tpu.memory_space<vmem_shared>>)
      tpu.yield
    }) : () -> ()
    "tpu.region"() ({
      %run_scoped3A = tpu.sem_alloc : memref<!tpu.dma_semaphore, #tpu.memory_space<semaphore_mem>>
      %dma_start3A = tpu.memref_slice %arg18[%mul3A_2] : memref<100352xf32, #tpu.memory_space<vmem_shared>> -> memref<6272xf32, #tpu.memory_space<vmem_shared>>
      %dma_start3A_15 = tpu.memref_slice %arg5[%mul3A_2] : memref<100352xf32, #tpu.memory_space<hbm>> -> memref<6272xf32, #tpu.memory_space<hbm>>
      tpu.enqueue_dma source(%dma_start3A_15 : memref<6272xf32, #tpu.memory_space<hbm>>) target(%dma_start3A : memref<6272xf32, #tpu.memory_space<vmem_shared>>) target_semaphore(%run_scoped3A : memref<!tpu.dma_semaphore, #tpu.memory_space<semaphore_mem>>)
      %dma_wait3A = tpu.memref_slice %arg18[%mul3A_2] : memref<100352xf32, #tpu.memory_space<vmem_shared>> -> memref<6272xf32, #tpu.memory_space<vmem_shared>>
      %dma_wait3A_16 = tpu.memref_slice %arg5[%mul3A_2] : memref<100352xf32, #tpu.memory_space<hbm>> -> memref<6272xf32, #tpu.memory_space<hbm>>
      tpu.wait_dma2 semaphore(%run_scoped3A : memref<!tpu.dma_semaphore, #tpu.memory_space<semaphore_mem>>) src(%dma_wait3A_16 : memref<6272xf32, #tpu.memory_space<hbm>>) dst(%dma_wait3A : memref<6272xf32, #tpu.memory_space<vmem_shared>>)
      tpu.yield
    }) : () -> ()
    "tpu.region"() ({
      %run_scoped3A = tpu.sem_alloc : memref<!tpu.dma_semaphore, #tpu.memory_space<semaphore_mem>>
      %dma_start3A = tpu.memref_slice %arg16[%mul3A_2] : memref<100352xf32, #tpu.memory_space<vmem_shared>> -> memref<6272xf32, #tpu.memory_space<vmem_shared>>
      %dma_start3A_15 = tpu.memref_slice %arg7[%mul3A_2] : memref<100352xf32, #tpu.memory_space<hbm>> -> memref<6272xf32, #tpu.memory_space<hbm>>
      tpu.enqueue_dma source(%dma_start3A_15 : memref<6272xf32, #tpu.memory_space<hbm>>) target(%dma_start3A : memref<6272xf32, #tpu.memory_space<vmem_shared>>) target_semaphore(%run_scoped3A : memref<!tpu.dma_semaphore, #tpu.memory_space<semaphore_mem>>)
      %dma_wait3A = tpu.memref_slice %arg16[%mul3A_2] : memref<100352xf32, #tpu.memory_space<vmem_shared>> -> memref<6272xf32, #tpu.memory_space<vmem_shared>>
      %dma_wait3A_16 = tpu.memref_slice %arg7[%mul3A_2] : memref<100352xf32, #tpu.memory_space<hbm>> -> memref<6272xf32, #tpu.memory_space<hbm>>
      tpu.wait_dma2 semaphore(%run_scoped3A : memref<!tpu.dma_semaphore, #tpu.memory_space<semaphore_mem>>) src(%dma_wait3A_16 : memref<6272xf32, #tpu.memory_space<hbm>>) dst(%dma_wait3A : memref<6272xf32, #tpu.memory_space<vmem_shared>>)
      tpu.yield
    }) : () -> ()
    "tpu.region"() ({
      %run_scoped3A = tpu.sem_alloc : memref<!tpu.dma_semaphore, #tpu.memory_space<semaphore_mem>>
      %dma_start3A = tpu.memref_slice %arg19[%mul3A_2] : memref<100352xf32, #tpu.memory_space<vmem_shared>> -> memref<6272xf32, #tpu.memory_space<vmem_shared>>
      %dma_start3A_15 = tpu.memref_slice %arg6[%mul3A_2] : memref<100352xf32, #tpu.memory_space<hbm>> -> memref<6272xf32, #tpu.memory_space<hbm>>
      tpu.enqueue_dma source(%dma_start3A_15 : memref<6272xf32, #tpu.memory_space<hbm>>) target(%dma_start3A : memref<6272xf32, #tpu.memory_space<vmem_shared>>) target_semaphore(%run_scoped3A : memref<!tpu.dma_semaphore, #tpu.memory_space<semaphore_mem>>)
      %dma_wait3A = tpu.memref_slice %arg19[%mul3A_2] : memref<100352xf32, #tpu.memory_space<vmem_shared>> -> memref<6272xf32, #tpu.memory_space<vmem_shared>>
      %dma_wait3A_16 = tpu.memref_slice %arg6[%mul3A_2] : memref<100352xf32, #tpu.memory_space<hbm>> -> memref<6272xf32, #tpu.memory_space<hbm>>
      tpu.wait_dma2 semaphore(%run_scoped3A : memref<!tpu.dma_semaphore, #tpu.memory_space<semaphore_mem>>) src(%dma_wait3A_16 : memref<6272xf32, #tpu.memory_space<hbm>>) dst(%dma_wait3A : memref<6272xf32, #tpu.memory_space<vmem_shared>>)
      tpu.yield
    }) : () -> ()
    %barrier3A = arith.constant 0 : index
    tpu.barrier barrier_id(%barrier3A)
    %scan3A = arith.constant 0 : i32
    %scan3A_3 = arith.constant 50 : i32
    %scan3A_4 = arith.addi %scan3A, %scan3A_3 : i32
    %scan3A_5 = arith.constant 1 : i32
    scf.for %scan3A_15 = %scan3A to %scan3A_4 step %scan3A_5  : i32 {
      %mul3A_16 = arith.constant 1 : i32
      %mul3A_17 = arith.muli %scan3A_15, %mul3A_16 : i32
      %add3A_18 = arith.constant 0 : i32
      %add3A_19 = arith.addi %add3A_18, %mul3A_17 : i32
      %mul3A_20 = arith.constant 50 : i32
      %mul3A_21 = arith.muli %add3A, %mul3A_20 : i32
      %add3A_22 = arith.addi %mul3A_21, %add3A_19 : i32
      %mul3A_23 = arith.constant 4000 : i32
      %mul3A_24 = arith.muli %add3A_22, %mul3A_23 : i32
      "tpu.region"() ({
        %run_scoped3A = tpu.sem_alloc : memref<!tpu.dma_semaphore, #tpu.memory_space<semaphore_mem>>
        %dma_start3A_47 = tpu.memref_slice %arg2[%mul3A_24] : memref<6400000xi32, #tpu.memory_space<hbm>> -> memref<4000xi32, #tpu.memory_space<hbm>>
        %dma_start3A_48 = tpu.memref_slice %arg2[%mul3A_24] : memref<6400000xi32, #tpu.memory_space<hbm>> -> memref<4000xi32, #tpu.memory_space<hbm>>
        tpu.enqueue_dma source(%dma_start3A_48 : memref<4000xi32, #tpu.memory_space<hbm>>) target(%arg9 : memref<4000xi32, #tpu.memory_space<vmem>>) target_semaphore(%run_scoped3A : memref<!tpu.dma_semaphore, #tpu.memory_space<semaphore_mem>>)
        %dma_wait3A_49 = tpu.memref_slice %arg2[%mul3A_24] : memref<6400000xi32, #tpu.memory_space<hbm>> -> memref<4000xi32, #tpu.memory_space<hbm>>
        %dma_wait3A_50 = tpu.memref_slice %arg2[%mul3A_24] : memref<6400000xi32, #tpu.memory_space<hbm>> -> memref<4000xi32, #tpu.memory_space<hbm>>
        tpu.wait_dma2 semaphore(%run_scoped3A : memref<!tpu.dma_semaphore, #tpu.memory_space<semaphore_mem>>) src(%dma_wait3A_50 : memref<4000xi32, #tpu.memory_space<hbm>>) dst(%arg9 : memref<4000xi32, #tpu.memory_space<vmem>>)
        tpu.yield
      }) : () -> ()
      "tpu.region"() ({
        %run_scoped3A = tpu.sem_alloc : memref<!tpu.dma_semaphore, #tpu.memory_space<semaphore_mem>>
        %dma_start3A_47 = tpu.memref_slice %arg3[%mul3A_24] : memref<6400000xi32, #tpu.memory_space<hbm>> -> memref<4000xi32, #tpu.memory_space<hbm>>
        %dma_start3A_48 = tpu.memref_slice %arg3[%mul3A_24] : memref<6400000xi32, #tpu.memory_space<hbm>> -> memref<4000xi32, #tpu.memory_space<hbm>>
        tpu.enqueue_dma source(%dma_start3A_48 : memref<4000xi32, #tpu.memory_space<hbm>>) target(%arg10 : memref<4000xi32, #tpu.memory_space<vmem>>) target_semaphore(%run_scoped3A : memref<!tpu.dma_semaphore, #tpu.memory_space<semaphore_mem>>)
        %dma_wait3A_49 = tpu.memref_slice %arg3[%mul3A_24] : memref<6400000xi32, #tpu.memory_space<hbm>> -> memref<4000xi32, #tpu.memory_space<hbm>>
        %dma_wait3A_50 = tpu.memref_slice %arg3[%mul3A_24] : memref<6400000xi32, #tpu.memory_space<hbm>> -> memref<4000xi32, #tpu.memory_space<hbm>>
        tpu.wait_dma2 semaphore(%run_scoped3A : memref<!tpu.dma_semaphore, #tpu.memory_space<semaphore_mem>>) src(%dma_wait3A_50 : memref<4000xi32, #tpu.memory_space<hbm>>) dst(%arg10 : memref<4000xi32, #tpu.memory_space<vmem>>)
        tpu.yield
      }) : () -> ()
      %dma_start3A = arith.constant 0 : i32
      %dma_start3A_25 = tpu.memref_slice %arg17[%dma_start3A] : memref<100352xf32, #tpu.memory_space<vmem_shared>> -> memref<100352xf32, #tpu.memory_space<vmem_shared>>
      tpu.enqueue_indirect_dma source(%dma_start3A_25 : memref<100352xf32, #tpu.memory_space<vmem_shared>>) target(%arg11 : memref<4000xf32, #tpu.memory_space<vmem>>) offsets(%arg9 : memref<4000xi32, #tpu.memory_space<vmem>>) semaphore(%arg20 : memref<!tpu.dma_semaphore, #tpu.memory_space<semaphore_mem>>)
      %dma_start3A_26 = arith.constant 0 : i32
      %dma_start3A_27 = tpu.memref_slice %arg18[%dma_start3A_26] : memref<100352xf32, #tpu.memory_space<vmem_shared>> -> memref<100352xf32, #tpu.memory_space<vmem_shared>>
      tpu.enqueue_indirect_dma source(%dma_start3A_27 : memref<100352xf32, #tpu.memory_space<vmem_shared>>) target(%arg12 : memref<4000xf32, #tpu.memory_space<vmem>>) offsets(%arg9 : memref<4000xi32, #tpu.memory_space<vmem>>) semaphore(%arg21 : memref<!tpu.dma_semaphore, #tpu.memory_space<semaphore_mem>>)
      %dma_start3A_28 = arith.constant 0 : i32
      %dma_start3A_29 = tpu.memref_slice %arg19[%dma_start3A_28] : memref<100352xf32, #tpu.memory_space<vmem_shared>> -> memref<100352xf32, #tpu.memory_space<vmem_shared>>
      tpu.enqueue_indirect_dma source(%dma_start3A_29 : memref<100352xf32, #tpu.memory_space<vmem_shared>>) target(%arg13 : memref<4000xf32, #tpu.memory_space<vmem>>) offsets(%arg9 : memref<4000xi32, #tpu.memory_space<vmem>>) semaphore(%arg22 : memref<!tpu.dma_semaphore, #tpu.memory_space<semaphore_mem>>)
      %dma_wait3A = arith.constant 0 : i32
      %dma_wait3A_30 = tpu.memref_slice %arg17[%dma_wait3A] : memref<100352xf32, #tpu.memory_space<vmem_shared>> -> memref<100352xf32, #tpu.memory_space<vmem_shared>>
      tpu.wait_indirect_dma semaphore(%arg20 : memref<!tpu.dma_semaphore, #tpu.memory_space<semaphore_mem>>) src(%dma_wait3A_30 : memref<100352xf32, #tpu.memory_space<vmem_shared>>) dst(%arg11 : memref<4000xf32, #tpu.memory_space<vmem>>)
      %dma_start3A_31 = arith.constant 0 : i32
      %dma_start3A_32 = tpu.memref_slice %arg14[%dma_start3A_31] : memref<100352xf32, #tpu.memory_space<vmem_shared>> -> memref<100352xf32, #tpu.memory_space<vmem_shared>>
      tpu.enqueue_indirect_dma source(%arg11 : memref<4000xf32, #tpu.memory_space<vmem>>) target(%dma_start3A_32 : memref<100352xf32, #tpu.memory_space<vmem_shared>>) offsets(%arg10 : memref<4000xi32, #tpu.memory_space<vmem>>) semaphore(%arg23 : memref<!tpu.dma_semaphore, #tpu.memory_space<semaphore_mem>>) {add = true}
      %dma_wait3A_33 = arith.constant 0 : i32
      %dma_wait3A_34 = tpu.memref_slice %arg18[%dma_wait3A_33] : memref<100352xf32, #tpu.memory_space<vmem_shared>> -> memref<100352xf32, #tpu.memory_space<vmem_shared>>
      tpu.wait_indirect_dma semaphore(%arg21 : memref<!tpu.dma_semaphore, #tpu.memory_space<semaphore_mem>>) src(%dma_wait3A_34 : memref<100352xf32, #tpu.memory_space<vmem_shared>>) dst(%arg12 : memref<4000xf32, #tpu.memory_space<vmem>>)
      %dma_start3A_35 = arith.constant 0 : i32
      %dma_start3A_36 = tpu.memref_slice %arg15[%dma_start3A_35] : memref<100352xf32, #tpu.memory_space<vmem_shared>> -> memref<100352xf32, #tpu.memory_space<vmem_shared>>
      tpu.enqueue_indirect_dma source(%arg12 : memref<4000xf32, #tpu.memory_space<vmem>>) target(%dma_start3A_36 : memref<100352xf32, #tpu.memory_space<vmem_shared>>) offsets(%arg10 : memref<4000xi32, #tpu.memory_space<vmem>>) semaphore(%arg24 : memref<!tpu.dma_semaphore, #tpu.memory_space<semaphore_mem>>) {add = true}
      %dma_wait3A_37 = arith.constant 0 : i32
      %dma_wait3A_38 = tpu.memref_slice %arg19[%dma_wait3A_37] : memref<100352xf32, #tpu.memory_space<vmem_shared>> -> memref<100352xf32, #tpu.memory_space<vmem_shared>>
      tpu.wait_indirect_dma semaphore(%arg22 : memref<!tpu.dma_semaphore, #tpu.memory_space<semaphore_mem>>) src(%dma_wait3A_38 : memref<100352xf32, #tpu.memory_space<vmem_shared>>) dst(%arg13 : memref<4000xf32, #tpu.memory_space<vmem>>)
      %dma_start3A_39 = arith.constant 0 : i32
      %dma_start3A_40 = tpu.memref_slice %arg16[%dma_start3A_39] : memref<100352xf32, #tpu.memory_space<vmem_shared>> -> memref<100352xf32, #tpu.memory_space<vmem_shared>>
      tpu.enqueue_indirect_dma source(%arg13 : memref<4000xf32, #tpu.memory_space<vmem>>) target(%dma_start3A_40 : memref<100352xf32, #tpu.memory_space<vmem_shared>>) offsets(%arg10 : memref<4000xi32, #tpu.memory_space<vmem>>) semaphore(%arg25 : memref<!tpu.dma_semaphore, #tpu.memory_space<semaphore_mem>>) {add = true}
      %dma_wait3A_41 = arith.constant 0 : i32
      %dma_wait3A_42 = tpu.memref_slice %arg14[%dma_wait3A_41] : memref<100352xf32, #tpu.memory_space<vmem_shared>> -> memref<100352xf32, #tpu.memory_space<vmem_shared>>
      tpu.wait_indirect_dma semaphore(%arg23 : memref<!tpu.dma_semaphore, #tpu.memory_space<semaphore_mem>>) src(%arg11 : memref<4000xf32, #tpu.memory_space<vmem>>) dst(%dma_wait3A_42 : memref<100352xf32, #tpu.memory_space<vmem_shared>>)
      %dma_wait3A_43 = arith.constant 0 : i32
      %dma_wait3A_44 = tpu.memref_slice %arg15[%dma_wait3A_43] : memref<100352xf32, #tpu.memory_space<vmem_shared>> -> memref<100352xf32, #tpu.memory_space<vmem_shared>>
      tpu.wait_indirect_dma semaphore(%arg24 : memref<!tpu.dma_semaphore, #tpu.memory_space<semaphore_mem>>) src(%arg12 : memref<4000xf32, #tpu.memory_space<vmem>>) dst(%dma_wait3A_44 : memref<100352xf32, #tpu.memory_space<vmem_shared>>)
      %dma_wait3A_45 = arith.constant 0 : i32
      %dma_wait3A_46 = tpu.memref_slice %arg16[%dma_wait3A_45] : memref<100352xf32, #tpu.memory_space<vmem_shared>> -> memref<100352xf32, #tpu.memory_space<vmem_shared>>
      tpu.wait_indirect_dma semaphore(%arg25 : memref<!tpu.dma_semaphore, #tpu.memory_space<semaphore_mem>>) src(%arg13 : memref<4000xf32, #tpu.memory_space<vmem>>) dst(%dma_wait3A_46 : memref<100352xf32, #tpu.memory_space<vmem_shared>>)
    }
    %scan3A_6 = arith.constant 50 : i32
    %barrier3A_7 = arith.constant 0 : index
    tpu.barrier barrier_id(%barrier3A_7)
    %eq3A = arith.constant 0 : i32
    %eq3A_8 = arith.cmpi eq, %arg0, %eq3A : i32
    %convert_element_type3A = arith.extui %eq3A_8 : i1 to i32
    %cond3A = arith.constant 0 : i32
    %cond3A_9 = arith.cmpi ne, %convert_element_type3A, %cond3A : i32
    scf.if %cond3A_9 {
      %run_scoped3A = arith.constant 0 : i32
      "tpu.region"() ({
        %run_scoped3A_17 = tpu.sem_alloc : memref<!tpu.dma_semaphore, #tpu.memory_space<semaphore_mem>>
        %dma_start3A = tpu.memref_slice %arg8[%run_scoped3A, %mul3A_2] : memref<6x100352xf32, #tpu.memory_space<hbm>> -> memref<1x6272xf32, #tpu.memory_space<hbm>>
        %dma_start3A_18 = tpu.memref_squeeze %dma_start3A : memref<1x6272xf32, #tpu.memory_space<hbm>> -> memref<6272xf32, #tpu.memory_space<hbm>>
        %dma_start3A_19 = tpu.memref_slice %arg14[%mul3A_2] : memref<100352xf32, #tpu.memory_space<vmem_shared>> -> memref<6272xf32, #tpu.memory_space<vmem_shared>>
        tpu.enqueue_dma source(%dma_start3A_19 : memref<6272xf32, #tpu.memory_space<vmem_shared>>) target(%dma_start3A_18 : memref<6272xf32, #tpu.memory_space<hbm>>) target_semaphore(%run_scoped3A_17 : memref<!tpu.dma_semaphore, #tpu.memory_space<semaphore_mem>>)
        %dma_wait3A = tpu.memref_slice %arg8[%run_scoped3A, %mul3A_2] : memref<6x100352xf32, #tpu.memory_space<hbm>> -> memref<1x6272xf32, #tpu.memory_space<hbm>>
        %dma_wait3A_20 = tpu.memref_squeeze %dma_wait3A : memref<1x6272xf32, #tpu.memory_space<hbm>> -> memref<6272xf32, #tpu.memory_space<hbm>>
        %dma_wait3A_21 = tpu.memref_slice %arg14[%mul3A_2] : memref<100352xf32, #tpu.memory_space<vmem_shared>> -> memref<6272xf32, #tpu.memory_space<vmem_shared>>
        tpu.wait_dma2 semaphore(%run_scoped3A_17 : memref<!tpu.dma_semaphore, #tpu.memory_space<semaphore_mem>>) src(%dma_wait3A_21 : memref<6272xf32, #tpu.memory_space<vmem_shared>>) dst(%dma_wait3A_20 : memref<6272xf32, #tpu.memory_space<hbm>>)
        tpu.yield
      }) : () -> ()
      %run_scoped3A_15 = arith.constant 1 : i32
      "tpu.region"() ({
        %run_scoped3A_17 = tpu.sem_alloc : memref<!tpu.dma_semaphore, #tpu.memory_space<semaphore_mem>>
        %dma_start3A = tpu.memref_slice %arg8[%run_scoped3A_15, %mul3A_2] : memref<6x100352xf32, #tpu.memory_space<hbm>> -> memref<1x6272xf32, #tpu.memory_space<hbm>>
        %dma_start3A_18 = tpu.memref_squeeze %dma_start3A : memref<1x6272xf32, #tpu.memory_space<hbm>> -> memref<6272xf32, #tpu.memory_space<hbm>>
        %dma_start3A_19 = tpu.memref_slice %arg15[%mul3A_2] : memref<100352xf32, #tpu.memory_space<vmem_shared>> -> memref<6272xf32, #tpu.memory_space<vmem_shared>>
        tpu.enqueue_dma source(%dma_start3A_19 : memref<6272xf32, #tpu.memory_space<vmem_shared>>) target(%dma_start3A_18 : memref<6272xf32, #tpu.memory_space<hbm>>) target_semaphore(%run_scoped3A_17 : memref<!tpu.dma_semaphore, #tpu.memory_space<semaphore_mem>>)
        %dma_wait3A = tpu.memref_slice %arg8[%run_scoped3A_15, %mul3A_2] : memref<6x100352xf32, #tpu.memory_space<hbm>> -> memref<1x6272xf32, #tpu.memory_space<hbm>>
        %dma_wait3A_20 = tpu.memref_squeeze %dma_wait3A : memref<1x6272xf32, #tpu.memory_space<hbm>> -> memref<6272xf32, #tpu.memory_space<hbm>>
        %dma_wait3A_21 = tpu.memref_slice %arg15[%mul3A_2] : memref<100352xf32, #tpu.memory_space<vmem_shared>> -> memref<6272xf32, #tpu.memory_space<vmem_shared>>
        tpu.wait_dma2 semaphore(%run_scoped3A_17 : memref<!tpu.dma_semaphore, #tpu.memory_space<semaphore_mem>>) src(%dma_wait3A_21 : memref<6272xf32, #tpu.memory_space<vmem_shared>>) dst(%dma_wait3A_20 : memref<6272xf32, #tpu.memory_space<hbm>>)
        tpu.yield
      }) : () -> ()
      %run_scoped3A_16 = arith.constant 2 : i32
      "tpu.region"() ({
        %run_scoped3A_17 = tpu.sem_alloc : memref<!tpu.dma_semaphore, #tpu.memory_space<semaphore_mem>>
        %dma_start3A = tpu.memref_slice %arg8[%run_scoped3A_16, %mul3A_2] : memref<6x100352xf32, #tpu.memory_space<hbm>> -> memref<1x6272xf32, #tpu.memory_space<hbm>>
        %dma_start3A_18 = tpu.memref_squeeze %dma_start3A : memref<1x6272xf32, #tpu.memory_space<hbm>> -> memref<6272xf32, #tpu.memory_space<hbm>>
        %dma_start3A_19 = tpu.memref_slice %arg16[%mul3A_2] : memref<100352xf32, #tpu.memory_space<vmem_shared>> -> memref<6272xf32, #tpu.memory_space<vmem_shared>>
        tpu.enqueue_dma source(%dma_start3A_19 : memref<6272xf32, #tpu.memory_space<vmem_shared>>) target(%dma_start3A_18 : memref<6272xf32, #tpu.memory_space<hbm>>) target_semaphore(%run_scoped3A_17 : memref<!tpu.dma_semaphore, #tpu.memory_space<semaphore_mem>>)
        %dma_wait3A = tpu.memref_slice %arg8[%run_scoped3A_16, %mul3A_2] : memref<6x100352xf32, #tpu.memory_space<hbm>> -> memref<1x6272xf32, #tpu.memory_space<hbm>>
        %dma_wait3A_20 = tpu.memref_squeeze %dma_wait3A : memref<1x6272xf32, #tpu.memory_space<hbm>> -> memref<6272xf32, #tpu.memory_space<hbm>>
        %dma_wait3A_21 = tpu.memref_slice %arg16[%mul3A_2] : memref<100352xf32, #tpu.memory_space<vmem_shared>> -> memref<6272xf32, #tpu.memory_space<vmem_shared>>
        tpu.wait_dma2 semaphore(%run_scoped3A_17 : memref<!tpu.dma_semaphore, #tpu.memory_space<semaphore_mem>>) src(%dma_wait3A_21 : memref<6272xf32, #tpu.memory_space<vmem_shared>>) dst(%dma_wait3A_20 : memref<6272xf32, #tpu.memory_space<hbm>>)
        tpu.yield
      }) : () -> ()
    } else {
    }
    %eq3A_10 = arith.constant 1 : i32
    %eq3A_11 = arith.cmpi eq, %arg0, %eq3A_10 : i32
    %convert_element_type3A_12 = arith.extui %eq3A_11 : i1 to i32
    %cond3A_13 = arith.constant 0 : i32
    %cond3A_14 = arith.cmpi ne, %convert_element_type3A_12, %cond3A_13 : i32
    scf.if %cond3A_14 {
      %run_scoped3A = arith.constant 3 : i32
      "tpu.region"() ({
        %run_scoped3A_17 = tpu.sem_alloc : memref<!tpu.dma_semaphore, #tpu.memory_space<semaphore_mem>>
        %dma_start3A = tpu.memref_slice %arg8[%run_scoped3A, %mul3A_2] : memref<6x100352xf32, #tpu.memory_space<hbm>> -> memref<1x6272xf32, #tpu.memory_space<hbm>>
        %dma_start3A_18 = tpu.memref_squeeze %dma_start3A : memref<1x6272xf32, #tpu.memory_space<hbm>> -> memref<6272xf32, #tpu.memory_space<hbm>>
        %dma_start3A_19 = tpu.memref_slice %arg14[%mul3A_2] : memref<100352xf32, #tpu.memory_space<vmem_shared>> -> memref<6272xf32, #tpu.memory_space<vmem_shared>>
        tpu.enqueue_dma source(%dma_start3A_19 : memref<6272xf32, #tpu.memory_space<vmem_shared>>) target(%dma_start3A_18 : memref<6272xf32, #tpu.memory_space<hbm>>) target_semaphore(%run_scoped3A_17 : memref<!tpu.dma_semaphore, #tpu.memory_space<semaphore_mem>>)
        %dma_wait3A = tpu.memref_slice %arg8[%run_scoped3A, %mul3A_2] : memref<6x100352xf32, #tpu.memory_space<hbm>> -> memref<1x6272xf32, #tpu.memory_space<hbm>>
        %dma_wait3A_20 = tpu.memref_squeeze %dma_wait3A : memref<1x6272xf32, #tpu.memory_space<hbm>> -> memref<6272xf32, #tpu.memory_space<hbm>>
        %dma_wait3A_21 = tpu.memref_slice %arg14[%mul3A_2] : memref<100352xf32, #tpu.memory_space<vmem_shared>> -> memref<6272xf32, #tpu.memory_space<vmem_shared>>
        tpu.wait_dma2 semaphore(%run_scoped3A_17 : memref<!tpu.dma_semaphore, #tpu.memory_space<semaphore_mem>>) src(%dma_wait3A_21 : memref<6272xf32, #tpu.memory_space<vmem_shared>>) dst(%dma_wait3A_20 : memref<6272xf32, #tpu.memory_space<hbm>>)
        tpu.yield
      }) : () -> ()
      %run_scoped3A_15 = arith.constant 4 : i32
      "tpu.region"() ({
        %run_scoped3A_17 = tpu.sem_alloc : memref<!tpu.dma_semaphore, #tpu.memory_space<semaphore_mem>>
        %dma_start3A = tpu.memref_slice %arg8[%run_scoped3A_15, %mul3A_2] : memref<6x100352xf32, #tpu.memory_space<hbm>> -> memref<1x6272xf32, #tpu.memory_space<hbm>>
        %dma_start3A_18 = tpu.memref_squeeze %dma_start3A : memref<1x6272xf32, #tpu.memory_space<hbm>> -> memref<6272xf32, #tpu.memory_space<hbm>>
        %dma_start3A_19 = tpu.memref_slice %arg15[%mul3A_2] : memref<100352xf32, #tpu.memory_space<vmem_shared>> -> memref<6272xf32, #tpu.memory_space<vmem_shared>>
        tpu.enqueue_dma source(%dma_start3A_19 : memref<6272xf32, #tpu.memory_space<vmem_shared>>) target(%dma_start3A_18 : memref<6272xf32, #tpu.memory_space<hbm>>) target_semaphore(%run_scoped3A_17 : memref<!tpu.dma_semaphore, #tpu.memory_space<semaphore_mem>>)
        %dma_wait3A = tpu.memref_slice %arg8[%run_scoped3A_15, %mul3A_2] : memref<6x100352xf32, #tpu.memory_space<hbm>> -> memref<1x6272xf32, #tpu.memory_space<hbm>>
        %dma_wait3A_20 = tpu.memref_squeeze %dma_wait3A : memref<1x6272xf32, #tpu.memory_space<hbm>> -> memref<6272xf32, #tpu.memory_space<hbm>>
        %dma_wait3A_21 = tpu.memref_slice %arg15[%mul3A_2] : memref<100352xf32, #tpu.memory_space<vmem_shared>> -> memref<6272xf32, #tpu.memory_space<vmem_shared>>
        tpu.wait_dma2 semaphore(%run_scoped3A_17 : memref<!tpu.dma_semaphore, #tpu.memory_space<semaphore_mem>>) src(%dma_wait3A_21 : memref<6272xf32, #tpu.memory_space<vmem_shared>>) dst(%dma_wait3A_20 : memref<6272xf32, #tpu.memory_space<hbm>>)
        tpu.yield
      }) : () -> ()
      %run_scoped3A_16 = arith.constant 5 : i32
      "tpu.region"() ({
        %run_scoped3A_17 = tpu.sem_alloc : memref<!tpu.dma_semaphore, #tpu.memory_space<semaphore_mem>>
        %dma_start3A = tpu.memref_slice %arg8[%run_scoped3A_16, %mul3A_2] : memref<6x100352xf32, #tpu.memory_space<hbm>> -> memref<1x6272xf32, #tpu.memory_space<hbm>>
        %dma_start3A_18 = tpu.memref_squeeze %dma_start3A : memref<1x6272xf32, #tpu.memory_space<hbm>> -> memref<6272xf32, #tpu.memory_space<hbm>>
        %dma_start3A_19 = tpu.memref_slice %arg16[%mul3A_2] : memref<100352xf32, #tpu.memory_space<vmem_shared>> -> memref<6272xf32, #tpu.memory_space<vmem_shared>>
        tpu.enqueue_dma source(%dma_start3A_19 : memref<6272xf32, #tpu.memory_space<vmem_shared>>) target(%dma_start3A_18 : memref<6272xf32, #tpu.memory_space<hbm>>) target_semaphore(%run_scoped3A_17 : memref<!tpu.dma_semaphore, #tpu.memory_space<semaphore_mem>>)
        %dma_wait3A = tpu.memref_slice %arg8[%run_scoped3A_16, %mul3A_2] : memref<6x100352xf32, #tpu.memory_space<hbm>> -> memref<1x6272xf32, #tpu.memory_space<hbm>>
        %dma_wait3A_20 = tpu.memref_squeeze %dma_wait3A : memref<1x6272xf32, #tpu.memory_space<hbm>> -> memref<6272xf32, #tpu.memory_space<hbm>>
        %dma_wait3A_21 = tpu.memref_slice %arg16[%mul3A_2] : memref<100352xf32, #tpu.memory_space<vmem_shared>> -> memref<6272xf32, #tpu.memory_space<vmem_shared>>
        tpu.wait_dma2 semaphore(%run_scoped3A_17 : memref<!tpu.dma_semaphore, #tpu.memory_space<semaphore_mem>>) src(%dma_wait3A_21 : memref<6272xf32, #tpu.memory_space<vmem_shared>>) dst(%dma_wait3A_20 : memref<6272xf32, #tpu.memory_space<hbm>>)
        tpu.yield
      }) : () -> ()
    } else {
    }
    return
  }
}

#map = affine_map<(d0, d1) -> (0)>
#map1 = affine_map<(d0, d1) -> (0, 0)>
module attributes {stable_mosaic.version = 14 : i64} {
  func.func @deg_kernel(%arg0: i32, %arg1: i32, %arg2: memref<6400000xi32, #tpu.memory_space<hbm>>, %arg3: memref<4000xf32, #tpu.memory_space<hbm>>, %arg4: memref<100352xf32, #tpu.memory_space<hbm>>, %arg5: memref<2x100352xf32, #tpu.memory_space<hbm>>, %arg6: memref<4000xi32, #tpu.memory_space<vmem>>, %arg7: memref<4000xf32, #tpu.memory_space<vmem>>, %arg8: memref<100352xf32, #tpu.memory_space<vmem_shared>>) attributes {dimension_semantics = [#tpu.dimension_semantics<core_parallel>, #tpu.dimension_semantics<subcore_parallel>], iteration_bounds = array<i64: 2, 16>, scalar_prefetch = 0 : i64, scratch_operands = 3 : i64, tpu.core_type = #tpu.core_type<sc_vector_subcore>, window_params = [{transform_indices = #map}, {transform_indices = #map}, {transform_indices = #map}, {transform_indices = #map1}]} {
    %mul3A = arith.constant 2 : i32
    %mul3A_0 = arith.muli %arg1, %mul3A : i32
    %add3A = arith.addi %mul3A_0, %arg0 : i32
    %mul3A_1 = arith.constant 6272 : i32
    %mul3A_2 = arith.muli %arg1, %mul3A_1 : i32
    "tpu.region"() ({
      %run_scoped3A = tpu.sem_alloc : memref<!tpu.dma_semaphore, #tpu.memory_space<semaphore_mem>>
      tpu.enqueue_dma source(%arg3 : memref<4000xf32, #tpu.memory_space<hbm>>) target(%arg7 : memref<4000xf32, #tpu.memory_space<vmem>>) target_semaphore(%run_scoped3A : memref<!tpu.dma_semaphore, #tpu.memory_space<semaphore_mem>>)
      tpu.wait_dma2 semaphore(%run_scoped3A : memref<!tpu.dma_semaphore, #tpu.memory_space<semaphore_mem>>) src(%arg3 : memref<4000xf32, #tpu.memory_space<hbm>>) dst(%arg7 : memref<4000xf32, #tpu.memory_space<vmem>>)
      tpu.yield
    }) : () -> ()
    "tpu.region"() ({
      %run_scoped3A = tpu.sem_alloc : memref<!tpu.dma_semaphore, #tpu.memory_space<semaphore_mem>>
      %dma_start3A = tpu.memref_slice %arg8[%mul3A_2] : memref<100352xf32, #tpu.memory_space<vmem_shared>> -> memref<6272xf32, #tpu.memory_space<vmem_shared>>
      %dma_start3A_15 = tpu.memref_slice %arg4[%mul3A_2] : memref<100352xf32, #tpu.memory_space<hbm>> -> memref<6272xf32, #tpu.memory_space<hbm>>
      tpu.enqueue_dma source(%dma_start3A_15 : memref<6272xf32, #tpu.memory_space<hbm>>) target(%dma_start3A : memref<6272xf32, #tpu.memory_space<vmem_shared>>) target_semaphore(%run_scoped3A : memref<!tpu.dma_semaphore, #tpu.memory_space<semaphore_mem>>)
      %dma_wait3A = tpu.memref_slice %arg8[%mul3A_2] : memref<100352xf32, #tpu.memory_space<vmem_shared>> -> memref<6272xf32, #tpu.memory_space<vmem_shared>>
      %dma_wait3A_16 = tpu.memref_slice %arg4[%mul3A_2] : memref<100352xf32, #tpu.memory_space<hbm>> -> memref<6272xf32, #tpu.memory_space<hbm>>
      tpu.wait_dma2 semaphore(%run_scoped3A : memref<!tpu.dma_semaphore, #tpu.memory_space<semaphore_mem>>) src(%dma_wait3A_16 : memref<6272xf32, #tpu.memory_space<hbm>>) dst(%dma_wait3A : memref<6272xf32, #tpu.memory_space<vmem_shared>>)
      tpu.yield
    }) : () -> ()
    %barrier3A = arith.constant 0 : index
    tpu.barrier barrier_id(%barrier3A)
    %scan3A = arith.constant 0 : i32
    %scan3A_3 = arith.constant 50 : i32
    %scan3A_4 = arith.addi %scan3A, %scan3A_3 : i32
    %scan3A_5 = arith.constant 1 : i32
    scf.for %scan3A_15 = %scan3A to %scan3A_4 step %scan3A_5  : i32 {
      %mul3A_16 = arith.constant 1 : i32
      %mul3A_17 = arith.muli %scan3A_15, %mul3A_16 : i32
      %add3A_18 = arith.constant 0 : i32
      %add3A_19 = arith.addi %add3A_18, %mul3A_17 : i32
      %mul3A_20 = arith.constant 50 : i32
      %mul3A_21 = arith.muli %add3A, %mul3A_20 : i32
      %add3A_22 = arith.addi %mul3A_21, %add3A_19 : i32
      %mul3A_23 = arith.constant 4000 : i32
      %mul3A_24 = arith.muli %add3A_22, %mul3A_23 : i32
      "tpu.region"() ({
        %run_scoped3A = tpu.sem_alloc : memref<!tpu.dma_semaphore, #tpu.memory_space<semaphore_mem>>
        %dma_start3A = tpu.memref_slice %arg2[%mul3A_24] : memref<6400000xi32, #tpu.memory_space<hbm>> -> memref<4000xi32, #tpu.memory_space<hbm>>
        %dma_start3A_25 = tpu.memref_slice %arg2[%mul3A_24] : memref<6400000xi32, #tpu.memory_space<hbm>> -> memref<4000xi32, #tpu.memory_space<hbm>>
        tpu.enqueue_dma source(%dma_start3A_25 : memref<4000xi32, #tpu.memory_space<hbm>>) target(%arg6 : memref<4000xi32, #tpu.memory_space<vmem>>) target_semaphore(%run_scoped3A : memref<!tpu.dma_semaphore, #tpu.memory_space<semaphore_mem>>)
        %dma_wait3A = tpu.memref_slice %arg2[%mul3A_24] : memref<6400000xi32, #tpu.memory_space<hbm>> -> memref<4000xi32, #tpu.memory_space<hbm>>
        %dma_wait3A_26 = tpu.memref_slice %arg2[%mul3A_24] : memref<6400000xi32, #tpu.memory_space<hbm>> -> memref<4000xi32, #tpu.memory_space<hbm>>
        tpu.wait_dma2 semaphore(%run_scoped3A : memref<!tpu.dma_semaphore, #tpu.memory_space<semaphore_mem>>) src(%dma_wait3A_26 : memref<4000xi32, #tpu.memory_space<hbm>>) dst(%arg6 : memref<4000xi32, #tpu.memory_space<vmem>>)
        tpu.yield
      }) : () -> ()
      "tpu.region"() ({
        %run_scoped3A = tpu.sem_alloc : memref<!tpu.dma_semaphore, #tpu.memory_space<semaphore_mem>>
        %dma_start3A = arith.constant 0 : i32
        %dma_start3A_25 = tpu.memref_slice %arg8[%dma_start3A] : memref<100352xf32, #tpu.memory_space<vmem_shared>> -> memref<100352xf32, #tpu.memory_space<vmem_shared>>
        tpu.enqueue_indirect_dma source(%arg7 : memref<4000xf32, #tpu.memory_space<vmem>>) target(%dma_start3A_25 : memref<100352xf32, #tpu.memory_space<vmem_shared>>) offsets(%arg6 : memref<4000xi32, #tpu.memory_space<vmem>>) semaphore(%run_scoped3A : memref<!tpu.dma_semaphore, #tpu.memory_space<semaphore_mem>>) {add = true}
        %dma_wait3A = arith.constant 0 : i32
        %dma_wait3A_26 = tpu.memref_slice %arg8[%dma_wait3A] : memref<100352xf32, #tpu.memory_space<vmem_shared>> -> memref<100352xf32, #tpu.memory_space<vmem_shared>>
        tpu.wait_indirect_dma semaphore(%run_scoped3A : memref<!tpu.dma_semaphore, #tpu.memory_space<semaphore_mem>>) src(%arg7 : memref<4000xf32, #tpu.memory_space<vmem>>) dst(%dma_wait3A_26 : memref<100352xf32, #tpu.memory_space<vmem_shared>>)
        tpu.yield
      }) : () -> ()
    }
    %scan3A_6 = arith.constant 50 : i32
    %barrier3A_7 = arith.constant 0 : index
    tpu.barrier barrier_id(%barrier3A_7)
    %eq3A = arith.constant 0 : i32
    %eq3A_8 = arith.cmpi eq, %arg0, %eq3A : i32
    %convert_element_type3A = arith.extui %eq3A_8 : i1 to i32
    %cond3A = arith.constant 0 : i32
    %cond3A_9 = arith.cmpi ne, %convert_element_type3A, %cond3A : i32
    scf.if %cond3A_9 {
      %run_scoped3A = arith.constant 0 : i32
      "tpu.region"() ({
        %run_scoped3A_15 = tpu.sem_alloc : memref<!tpu.dma_semaphore, #tpu.memory_space<semaphore_mem>>
        %dma_start3A = tpu.memref_slice %arg5[%run_scoped3A, %mul3A_2] : memref<2x100352xf32, #tpu.memory_space<hbm>> -> memref<1x6272xf32, #tpu.memory_space<hbm>>
        %dma_start3A_16 = tpu.memref_squeeze %dma_start3A : memref<1x6272xf32, #tpu.memory_space<hbm>> -> memref<6272xf32, #tpu.memory_space<hbm>>
        %dma_start3A_17 = tpu.memref_slice %arg8[%mul3A_2] : memref<100352xf32, #tpu.memory_space<vmem_shared>> -> memref<6272xf32, #tpu.memory_space<vmem_shared>>
        tpu.enqueue_dma source(%dma_start3A_17 : memref<6272xf32, #tpu.memory_space<vmem_shared>>) target(%dma_start3A_16 : memref<6272xf32, #tpu.memory_space<hbm>>) target_semaphore(%run_scoped3A_15 : memref<!tpu.dma_semaphore, #tpu.memory_space<semaphore_mem>>)
        %dma_wait3A = tpu.memref_slice %arg5[%run_scoped3A, %mul3A_2] : memref<2x100352xf32, #tpu.memory_space<hbm>> -> memref<1x6272xf32, #tpu.memory_space<hbm>>
        %dma_wait3A_18 = tpu.memref_squeeze %dma_wait3A : memref<1x6272xf32, #tpu.memory_space<hbm>> -> memref<6272xf32, #tpu.memory_space<hbm>>
        %dma_wait3A_19 = tpu.memref_slice %arg8[%mul3A_2] : memref<100352xf32, #tpu.memory_space<vmem_shared>> -> memref<6272xf32, #tpu.memory_space<vmem_shared>>
        tpu.wait_dma2 semaphore(%run_scoped3A_15 : memref<!tpu.dma_semaphore, #tpu.memory_space<semaphore_mem>>) src(%dma_wait3A_19 : memref<6272xf32, #tpu.memory_space<vmem_shared>>) dst(%dma_wait3A_18 : memref<6272xf32, #tpu.memory_space<hbm>>)
        tpu.yield
      }) : () -> ()
    } else {
    }
    %eq3A_10 = arith.constant 1 : i32
    %eq3A_11 = arith.cmpi eq, %arg0, %eq3A_10 : i32
    %convert_element_type3A_12 = arith.extui %eq3A_11 : i1 to i32
    %cond3A_13 = arith.constant 0 : i32
    %cond3A_14 = arith.cmpi ne, %convert_element_type3A_12, %cond3A_13 : i32
    scf.if %cond3A_14 {
      %run_scoped3A = arith.constant 1 : i32
      "tpu.region"() ({
        %run_scoped3A_15 = tpu.sem_alloc : memref<!tpu.dma_semaphore, #tpu.memory_space<semaphore_mem>>
        %dma_start3A = tpu.memref_slice %arg5[%run_scoped3A, %mul3A_2] : memref<2x100352xf32, #tpu.memory_space<hbm>> -> memref<1x6272xf32, #tpu.memory_space<hbm>>
        %dma_start3A_16 = tpu.memref_squeeze %dma_start3A : memref<1x6272xf32, #tpu.memory_space<hbm>> -> memref<6272xf32, #tpu.memory_space<hbm>>
        %dma_start3A_17 = tpu.memref_slice %arg8[%mul3A_2] : memref<100352xf32, #tpu.memory_space<vmem_shared>> -> memref<6272xf32, #tpu.memory_space<vmem_shared>>
        tpu.enqueue_dma source(%dma_start3A_17 : memref<6272xf32, #tpu.memory_space<vmem_shared>>) target(%dma_start3A_16 : memref<6272xf32, #tpu.memory_space<hbm>>) target_semaphore(%run_scoped3A_15 : memref<!tpu.dma_semaphore, #tpu.memory_space<semaphore_mem>>)
        %dma_wait3A = tpu.memref_slice %arg5[%run_scoped3A, %mul3A_2] : memref<2x100352xf32, #tpu.memory_space<hbm>> -> memref<1x6272xf32, #tpu.memory_space<hbm>>
        %dma_wait3A_18 = tpu.memref_squeeze %dma_wait3A : memref<1x6272xf32, #tpu.memory_space<hbm>> -> memref<6272xf32, #tpu.memory_space<hbm>>
        %dma_wait3A_19 = tpu.memref_slice %arg8[%mul3A_2] : memref<100352xf32, #tpu.memory_space<vmem_shared>> -> memref<6272xf32, #tpu.memory_space<vmem_shared>>
        tpu.wait_dma2 semaphore(%run_scoped3A_15 : memref<!tpu.dma_semaphore, #tpu.memory_space<semaphore_mem>>) src(%dma_wait3A_19 : memref<6272xf32, #tpu.memory_space<vmem_shared>>) dst(%dma_wait3A_18 : memref<6272xf32, #tpu.memory_space<hbm>>)
        tpu.yield
      }) : () -> ()
    } else {
    }
    return
  }
}

module attributes {stable_mosaic.version = 14 : i64} {
  func.func @_tc1_body(%arg0: memref<3x100352xf32, #tpu.memory_space<vmem>>, %arg1: memref<2x100352xf32, #tpu.memory_space<vmem>>, %arg2: memref<3x100352xf32, #tpu.memory_space<vmem>>, %arg3: memref<1x100352xf32, #tpu.memory_space<vmem>>) attributes {dimension_semantics = [], scalar_prefetch = 0 : i64, scratch_operands = 0 : i64, tpu.core_type = #tpu.core_type<tc>} {
    %get3A = arith.constant 0 : index
    %get3A_0 = arith.constant 0 : index
    %get3A_1 = vector.load %arg1[%get3A, %get3A_0] : memref<2x100352xf32, #tpu.memory_space<vmem>>, vector<1x100352xf32>
    %get3A_2 = arith.constant 1 : index
    %get3A_3 = arith.constant 0 : index
    %get3A_4 = vector.load %arg1[%get3A_2, %get3A_3] : memref<2x100352xf32, #tpu.memory_space<vmem>>, vector<1x100352xf32>
    %add3A = arith.addf %get3A_1, %get3A_4 : vector<1x100352xf32>
    %add3A_5 = arith.constant 1.000000e+00 : f32
    %add3A_6 = vector.broadcast %add3A_5 : f32 to vector<1x100352xf32>
    %add3A_7 = arith.addf %add3A, %add3A_6 : vector<1x100352xf32>
    %max3A = arith.constant 1.000000e+00 : f32
    %max3A_8 = vector.broadcast %max3A : f32 to vector<1x100352xf32>
    %max3A_9 = arith.maximumf %add3A_7, %max3A_8 : vector<1x100352xf32>
    %rsqrt3A = math.rsqrt %max3A_9 : vector<1x100352xf32>
    %swap3A = arith.constant 0 : index
    %swap3A_10 = arith.constant 0 : index
    %swap3A_11 = vector.load %arg3[%swap3A, %swap3A_10] : memref<1x100352xf32, #tpu.memory_space<vmem>>, vector<1x100352xf32>
    tpu.vector_store %arg3[%swap3A, %swap3A_10], %rsqrt3A {strides = array<i32>} : memref<1x100352xf32, #tpu.memory_space<vmem>>, vector<1x100352xf32>,
    %get3A_12 = arith.constant 0 : index
    %get3A_13 = arith.constant 0 : index
    %get3A_14 = vector.load %arg0[%get3A_12, %get3A_13] : memref<3x100352xf32, #tpu.memory_space<vmem>>, vector<3x100352xf32>
    %mul3A = vector.broadcast %rsqrt3A : vector<1x100352xf32> to vector<3x100352xf32>
    %mul3A_15 = arith.mulf %get3A_14, %mul3A : vector<3x100352xf32>
    %swap3A_16 = arith.constant 0 : index
    %swap3A_17 = arith.constant 0 : index
    %swap3A_18 = vector.load %arg2[%swap3A_16, %swap3A_17] : memref<3x100352xf32, #tpu.memory_space<vmem>>, vector<3x100352xf32>
    tpu.vector_store %arg2[%swap3A_16, %swap3A_17], %mul3A_15 {strides = array<i32>} : memref<3x100352xf32, #tpu.memory_space<vmem>>, vector<3x100352xf32>,
    return
  }
}

module attributes {stable_mosaic.version = 14 : i64} {
  func.func @_tc2_body(%arg0: memref<3x100352xf32, #tpu.memory_space<vmem>>, %arg1: memref<3x100352xf32, #tpu.memory_space<vmem>>, %arg2: memref<3x100352xf32, #tpu.memory_space<vmem>>, %arg3: memref<1x100352xf32, #tpu.memory_space<vmem>>, %arg4: memref<8x3xf32, #tpu.memory_space<vmem>>, %arg5: memref<8x1xf32, #tpu.memory_space<vmem>>, %arg6: memref<1x8xf32, #tpu.memory_space<vmem>>, %arg7: memref<1x100352xf32, #tpu.memory_space<vmem>>) attributes {dimension_semantics = [], scalar_prefetch = 0 : i64, scratch_operands = 0 : i64, tpu.core_type = #tpu.core_type<tc>} {
    %get3A = arith.constant 0 : index
    %get3A_0 = arith.constant 0 : index
    %get3A_1 = vector.load %arg0[%get3A, %get3A_0] : memref<3x100352xf32, #tpu.memory_space<vmem>>, vector<3x100352xf32>
    %get3A_2 = arith.constant 0 : index
    %get3A_3 = arith.constant 0 : index
    %get3A_4 = vector.load %arg1[%get3A_2, %get3A_3] : memref<3x100352xf32, #tpu.memory_space<vmem>>, vector<3x100352xf32>
    %add3A = arith.addf %get3A_1, %get3A_4 : vector<3x100352xf32>
    %get3A_5 = arith.constant 0 : index
    %get3A_6 = arith.constant 0 : index
    %get3A_7 = vector.load %arg2[%get3A_5, %get3A_6] : memref<3x100352xf32, #tpu.memory_space<vmem>>, vector<3x100352xf32>
    %add3A_8 = arith.addf %add3A, %get3A_7 : vector<3x100352xf32>
    %get3A_9 = arith.constant 0 : index
    %get3A_10 = arith.constant 0 : index
    %get3A_11 = vector.load %arg3[%get3A_9, %get3A_10] : memref<1x100352xf32, #tpu.memory_space<vmem>>, vector<1x100352xf32>
    %get3A_12 = arith.constant 0 : index
    %get3A_13 = arith.constant 0 : index
    %get3A_14 = vector.load %arg4[%get3A_12, %get3A_13] : memref<8x3xf32, #tpu.memory_space<vmem>>, vector<8x3xf32>
    %dot_general3A = arith.constant dense<0.000000e+00> : vector<8x100352xf32>
    %dot_general3A_15 = tpu.matmul %get3A_14, %add3A_8, %dot_general3A {dimension_numbers = #tpu.dot_dimension_numbers<[1], [0], [0], [1], [0, 0, 1, 1], [], []>, transpose_lhs_hint = false} : vector<8x3xf32>, vector<3x100352xf32>, vector<8x100352xf32> -> vector<8x100352xf32>
    %mul3A = vector.broadcast %get3A_11 : vector<1x100352xf32> to vector<8x100352xf32>
    %mul3A_16 = arith.mulf %mul3A, %dot_general3A_15 : vector<8x100352xf32>
    %get3A_17 = arith.constant 0 : index
    %get3A_18 = arith.constant 0 : index
    %get3A_19 = vector.load %arg5[%get3A_17, %get3A_18] : memref<8x1xf32, #tpu.memory_space<vmem>>, vector<8x1xf32>
    %add3A_20 = vector.broadcast %get3A_19 : vector<8x1xf32> to vector<8x100352xf32>
    %add3A_21 = arith.addf %mul3A_16, %add3A_20 : vector<8x100352xf32>
    %max3A = arith.constant 0.000000e+00 : f32
    %max3A_22 = vector.broadcast %max3A : f32 to vector<8x100352xf32>
    %max3A_23 = arith.maximumf %add3A_21, %max3A_22 : vector<8x100352xf32>
    %get3A_24 = arith.constant 0 : index
    %get3A_25 = arith.constant 0 : index
    %get3A_26 = vector.load %arg6[%get3A_24, %get3A_25] : memref<1x8xf32, #tpu.memory_space<vmem>>, vector<1x8xf32>
    %dot_general3A_27 = arith.constant dense<0.000000e+00> : vector<1x100352xf32>
    %dot_general3A_28 = tpu.matmul %get3A_26, %max3A_23, %dot_general3A_27 {dimension_numbers = #tpu.dot_dimension_numbers<[1], [0], [0], [1], [0, 0, 1, 1], [], []>, transpose_lhs_hint = false} : vector<1x8xf32>, vector<8x100352xf32>, vector<1x100352xf32> -> vector<1x100352xf32>
    %mul3A_29 = arith.mulf %get3A_11, %dot_general3A_28 : vector<1x100352xf32>
    %swap3A = arith.constant 0 : index
    %swap3A_30 = arith.constant 0 : index
    %swap3A_31 = vector.load %arg7[%swap3A, %swap3A_30] : memref<1x100352xf32, #tpu.memory_space<vmem>>, vector<1x100352xf32>
    tpu.vector_store %arg7[%swap3A, %swap3A_30], %mul3A_29 {strides = array<i32>} : memref<1x100352xf32, #tpu.memory_space<vmem>>, vector<1x100352xf32>,
    return
  }
}

module attributes {stable_mosaic.version = 14 : i64} {
  func.func @_tc3_body(%arg0: memref<1x100352xf32, #tpu.memory_space<vmem>>, %arg1: memref<1x100352xf32, #tpu.memory_space<vmem>>, %arg2: memref<1x100352xf32, #tpu.memory_space<vmem>>, %arg3: memref<1x100352xf32, #tpu.memory_space<vmem>>, %arg4: memref<1x1xf32, #tpu.memory_space<vmem>>, %arg5: memref<1x100352xf32, #tpu.memory_space<vmem>>) attributes {dimension_semantics = [], scalar_prefetch = 0 : i64, scratch_operands = 0 : i64, tpu.core_type = #tpu.core_type<tc>} {
    %get3A = arith.constant 0 : index
    %get3A_0 = arith.constant 0 : index
    %get3A_1 = vector.load %arg0[%get3A, %get3A_0] : memref<1x100352xf32, #tpu.memory_space<vmem>>, vector<1x100352xf32>
    %get3A_2 = arith.constant 0 : index
    %get3A_3 = arith.constant 0 : index
    %get3A_4 = vector.load %arg1[%get3A_2, %get3A_3] : memref<1x100352xf32, #tpu.memory_space<vmem>>, vector<1x100352xf32>
    %add3A = arith.addf %get3A_1, %get3A_4 : vector<1x100352xf32>
    %get3A_5 = arith.constant 0 : index
    %get3A_6 = arith.constant 0 : index
    %get3A_7 = vector.load %arg2[%get3A_5, %get3A_6] : memref<1x100352xf32, #tpu.memory_space<vmem>>, vector<1x100352xf32>
    %add3A_8 = arith.addf %add3A, %get3A_7 : vector<1x100352xf32>
    %get3A_9 = arith.constant 0 : index
    %get3A_10 = arith.constant 0 : index
    %get3A_11 = vector.load %arg3[%get3A_9, %get3A_10] : memref<1x100352xf32, #tpu.memory_space<vmem>>, vector<1x100352xf32>
    %mul3A = arith.mulf %get3A_11, %add3A_8 : vector<1x100352xf32>
    %get3A_12 = arith.constant 0 : index
    %get3A_13 = arith.constant 0 : index
    %get3A_14 = vector.load %arg4[%get3A_12, %get3A_13] : memref<1x1xf32, #tpu.memory_space<vmem>>, vector<1x1xf32>
    %add3A_15 = vector.broadcast %get3A_14 : vector<1x1xf32> to vector<1x100352xf32>
    %add3A_16 = arith.addf %mul3A, %add3A_15 : vector<1x100352xf32>
    %swap3A = arith.constant 0 : index
    %swap3A_17 = arith.constant 0 : index
    %swap3A_18 = vector.load %arg5[%swap3A, %swap3A_17] : memref<1x100352xf32, #tpu.memory_space<vmem>>, vector<1x100352xf32>
    tpu.vector_store %arg5[%swap3A, %swap3A_17], %add3A_16 {strides = array<i32>} : memref<1x100352xf32, #tpu.memory_space<vmem>>, vector<1x100352xf32>,
    return
  }
}

</mosaic_0001>

<sc_bundles>
// kernel: kernel.11.cloned.1.call-start
scs
__scs_entry_jumppad:
0x0: {  	(pc) =	sbr.rel $0x88, $3  }
0x1: {  	(tag) =	ssettag $0x0;
	lr =	simm.s32 $0x1  }
0x2: {  	[smem:$0x3F9B] =	sst lr;
	_ =	strace $0xD0000000  }
0x3: {  	_ = 	snop  }
0x4: {  	_ = 	snop  }
0x5: {  	_ = 	snop  }
0x6: {  	_ = 	snop  }
0x7: {  	_ = 	snop  }
__scs_overlays_trampoline_lowered:
0x8: {  	[smem:$0x3FAA] =	sst s0  }
0x9: {  	[smem:$0x3FAB] =	sst s1  }
0xa: {  	[smem:$0x3FAC] =	sst s2  }
0xb: {  	[smem:$0x3FAD] =	sst s3  }
0xc: {  	[smem:$0x3FAE] =	sst s4  }
0xd: {  	[smem:$0x3FAF] =	sst s5  }
0xe: {  	[smem:$0x3FB0] =	sst s6  }
0xf: {  	[smem:$0x3FB1] =	sst s7  }
0x10: {  	[smem:$0x3FB2] =	sst s8  }
0x11: {  	[smem:$0x3FB3] =	sst s9;
	s0 =	simm.s32 @!p0 $0x0  }
0x12: {  	s1 =	sld [smem:$0x3F99];
	s0 =	simm.s32 @p0 $0x1  }
0x13: {  	[smem:$0x3FB4] =	sst s0;
	s0 =	simm.s32 @!p1 $0x0  }
0x14: {  	s2 =	sld [smem:$0x3F98];
	s0 =	simm.s32 @p1 $0x1  }
0x15: {  	[smem:$0x3FB5] =	sst s0;
	s0 =	simm.s32 @!p2 $0x0  }
0x16: {  	s3 =	sld [smem:$0x3FDB];
	s0 =	simm.s32 @p2 $0x1  }
0x17: {  	s4 =	simm.s32 $0x1BF5;
	[smem:$0x3FB7] =	sst s0  }
0x18: {  	s0 =	sld [smem:$0x3F9A];
	_ =	swait.ge [sflag:s4], $0x0  }
0x19: {  	s7 =	sld [smem:$0x3F9B]  }
0x1a: {  	s8 =	sadd.s32 $0xFFFFE003, lr  }
0x1b: {  	s9 =	sadd.s32 $0xFFFFFEF7, lr;
	s5 =	simm.s32 $0xFFFFFFFF;
	p2 =	slt.u32 s8, $0xFFFFF086  }
0x1c: {  	p1 =	slt.u32 s9, $0xF7A;
	s5 =	simm.s32 @!p2 $0x0  }
0x1d: {  	s5 =	simm.s32 @p1 $0x1;
	p0 =	seq.s32 s7, s2  }
0x1e: {  	s7 =	smul.u32 @!p0 $0xF7A, s2;
	p2 =	seq.s32 @!p0 s5, $0x0  }
0x1f: {  	s9 =	smul.u32 $0xF7A, s1;
	s8 =	simm.s32 @!p0 $0x1BF5;
	p2 =	por !p2, p0  }
0x20: {  	[sflag:s8] =	ssyncset.s32 @!p0 $0xFFFFF086;
	s6 =	sadd.s32 @!p0 s3, s7;
	s7 =	simm.s32 @!p0 $0x108  }
0x21: {  	s3 =	sadd.s32 s3, s9;
	s6 =	sadd.s32 @!p0 $0x88, s6;
	s7 =	simm.s32 @p2 $0x1082  }
0x22: {  	[simem:s7], [sflag:s8] =	dma.local @!p0 [hbm:s6], $0xF7A  }
0x23: {  	s9 =	sor.u32 $0xD0000000, s2;
	s6 =	simm.s32 $0x108;
	_ =	swait.ge @!p0 [sflag:s8], $0x0  }
0x24: {  	s3 =	sadd.s32 $0x88, s3;
	s6 =	simm.s32 @!p1 $0x1082;
	[sflag:s4] =	ssyncset.s32 $0xFFFFF086  }
0x25: {  	[simem:s6], [sflag:s4] =	dma.local [hbm:s3], $0xF7A  }
0x26: {  	[smem:$0x3F9B] =	sst s1;
	(tag) =	ssettag s2;
	_ =	strace s9  }
0x27: {  	s1 =	sld [smem:$0x3FAB]  }
0x28: {  	s2 =	sld [smem:$0x3FAC]  }
0x29: {  	s4 =	sld [smem:$0x3FAE]  }
0x2a: {  	p0 =	seq.s32 s5, $0x0;
	s5 =	sld [smem:$0x3FAF]  }
0x2b: {  	s6 =	sld [smem:$0x3FB0]  }
0x2c: {  	s7 =	sld [smem:$0x3FB1]  }
0x2d: {  	s3 =	simm.s32 $0x108;
	s8 =	sld [smem:$0x3FB2]  }
0x2e: {  	s3 =	simm.s32 @!p0 $0x1082;
	s9 =	sld [smem:$0x3FB3]  }
0x2f: {  	lr =	sadd.s32 s0, s3;
	s0 =	sld [smem:$0x3FAA]  }
0x30: {  	s3 =	sld [smem:$0x3FAD]  }
0x31: {  	[smem:$0x3FB6] =	sst s10  }
0x32: {  	s10 =	sld [smem:$0x3FB4];
	_ =	sdelay $0x3  }
0x33: {  	p0 =	seq.s32 s10, $0x1;
	s10 =	sld [smem:$0x3FB6];
	_ =	sdelay $0x3  }
0x34: {  	[smem:$0x3FB6] =	sst s10  }
0x35: {  	s10 =	sld [smem:$0x3FB5];
	_ =	sdelay $0x3  }
0x36: {  	p1 =	seq.s32 s10, $0x1;
	s10 =	sld [smem:$0x3FB6];
	_ =	sdelay $0x3  }
0x37: {  	[smem:$0x3FB6] =	sst s10  }
0x38: {  	s10 =	sld [smem:$0x3FB7]  }
0x39: {  	_ = 	snop;
	(pc) =	sbr.ind lr, $3  }
0x3a: {  	_ = 	snop  }
0x3b: {  	_ = 	snop  }
0x3c: {  	p2 =	seq.s32 s10, $0x1;
	s10 =	sld [smem:$0x3FB6]  }
0x3d: {  	_ =	shalt  }
0x3e: {  	_ =	shalt  }
0x3f: {  	_ =	shalt  }
0x40: {  	_ =	shalt  }
0x41: {  	_ =	shalt  }
0x42: {  	_ =	shalt  }
0x43: {  	_ =	shalt  }
0x44: {  	_ =	shalt  }
0x45: {  	_ =	shalt  }
0x46: {  	_ =	shalt  }
0x47: {  	_ =	shalt  }
0x48: {  	_ =	shalt  }
0x49: {  	_ =	shalt  }
0x4a: {  	_ =	shalt  }
0x4b: {  	_ =	shalt  }
0x4c: {  	_ =	shalt  }
0x4d: {  	_ =	shalt  }
0x4e: {  	_ =	shalt  }
0x4f: {  	_ =	shalt  }
0x50: {  	_ =	shalt  }
0x51: {  	_ =	shalt  }
0x52: {  	_ =	shalt  }
0x53: {  	_ =	shalt  }
0x54: {  	_ =	shalt  }
0x55: {  	_ =	shalt  }
0x56: {  	_ =	shalt  }
0x57: {  	_ =	shalt  }
0x58: {  	_ =	shalt  }
0x59: {  	_ =	shalt  }
0x5a: {  	_ =	shalt  }
0x5b: {  	_ =	shalt  }
0x5c: {  	_ =	shalt  }
0x5d: {  	_ =	shalt  }
0x5e: {  	_ =	shalt  }
0x5f: {  	_ =	shalt  }
0x60: {  	_ =	shalt  }
0x61: {  	_ =	shalt  }
0x62: {  	_ =	shalt  }
0x63: {  	_ =	shalt  }
0x64: {  	_ =	shalt  }
0x65: {  	_ =	shalt  }
0x66: {  	_ =	shalt  }
0x67: {  	_ =	shalt  }
0x68: {  	_ =	shalt  }
0x69: {  	_ =	shalt  }
0x6a: {  	_ =	shalt  }
0x6b: {  	_ =	shalt  }
0x6c: {  	_ =	shalt  }
0x6d: {  	_ =	shalt  }
0x6e: {  	_ =	shalt  }
0x6f: {  	_ =	shalt  }
0x70: {  	_ =	shalt  }
0x71: {  	_ =	shalt  }
0x72: {  	_ =	shalt  }
0x73: {  	_ =	shalt  }
0x74: {  	_ =	shalt  }
0x75: {  	_ =	shalt  }
0x76: {  	_ =	shalt  }
0x77: {  	_ =	shalt  }
0x78: {  	_ =	shalt  }
0x79: {  	_ =	shalt  }
0x7a: {  	_ =	shalt  }
0x7b: {  	_ =	shalt  }
0x7c: {  	_ =	shalt  }
0x7d: {  	_ =	shalt  }
0x7e: {  	_ =	shalt  }
0x7f: {  	_ =	shalt  }
0x80: {  	_ =	shalt  }
0x81: {  	_ =	shalt  }
0x82: {  	_ =	shalt  }
0x83: {  	_ =	shalt  }
0x84: {  	_ =	shalt  }
0x85: {  	_ =	shalt  }
0x86: {  	_ =	shalt  }
0x87: {  	_ =	shalt  }
.Lfunc_end0:
.L_simem_size_0:
called_computation.1_lowered:
.L_overlay_start_0:
0x88: {  	s2 =	sld [smem:$0x3FD9]  }
0x89: {  	s3 =	sld [smem:$0x3FFE];
	_ =	sdelay $0x1  }
0x8a: {  	s1 =	srdreg.scid  }
0x8b: {  	s0 =	sand.u32 $0x1, s1  }
0x8c: {  	s16 =	sshll.u32 s0, $0xA;
	s2 =	sadd.s32 s3, s2  }
0x8d: {  	s2 =	sadd.s32 s2, s16  }
0x8e: {  	[smem:$0x3FC2] =	sst s2  }
0x8f: {  	_ = 	snop  }
0x90: {  	(tm) =	ssettm $0x1  }
0x91: {  	s17 =	sld [smem:$0x3FFB];
	_ =	sdelay $0x3  }
0x92: {  	_ =	strace s17  }
0x93: {  	s2 =	sld [smem:$0x3FFC];
	_ =	sdelay $0x3  }
0x94: {  	_ =	strace s2  }
0x95: {  	s2 =	sld [smem:$0x3FFD];
	_ =	sdelay $0x3  }
0x96: {  	_ =	strace s2  }
0x97: {  	_ =	strace $0x8FFFFFFF  }
0x98: {  	s18 =	sld [smem:$0x3FDB];
	_ =	sdelay $0x1  }
0x99: {  	s19 =	simm.s32 $_scs_section_size  }
0x9a: {  	s4 =	simm.s32 $_size__tile_overlayer_lowered;
	s5 =	simm.s32 $_tile_overlayer_lowered  }
0x9b: {  	s22 =	simm.s32 $0x1BFF;
	s21 =	sshll.u32 s5, $0x1;
	s2 =	sadd.s32 s19, s18  }
0x9c: {  	s6 =	simm.s32 $0x0;
	s20 =	sshll.u32 s4, $0x1;
	s4 =	sadd.s32 s21, s2  }
0x9d: {  	[timem:s6], [sflag:s22] =	dma.local [hbm:s4], s20  }
0x9e: {  	_ =	swait.ge [sflag:s22], s20  }
0x9f: {  	s3 =	ssub.s32 $0x0, s20;
	[sflag:s22] =	ssyncset.done $0x0  }
0xa0: {  	[sflag:s22] =	ssyncadd.s32 s3;
	_ =	sdelay $0x1  }
0xa1: {  	s23 =	simm.s32 $0x1B8B  }
0xa2: {  	_ =	swait.ge [sflag:s23], $0x1  }
0xa3: {  	[sflag:s23] =	ssyncset.done $0x0  }
0xa4: {  	s25 =	simm.s32 $0x1B8E;
	s24 =	sld [smem:$0x3FFE];
	[sflag:s23] =	ssyncadd.s32 $0xFFFFFFFF  }
0xa5: {  	s26 =	simm.s32 $execute0_lowered;
	[smem:$0x3FD2] =	sst s25  }
0xa6: {  	s4 =	sshll.u32 s26, $0x1;
	_ =	strace $0x80000049;
	[dreg:$0x1] =	wrdreg $0xFFFFFFFF  }
0xa7: {  	s28 =	simm.s32 $_size_execute0_lowered;
	s2 =	sadd.s32 s2, s4;
	[dreg:$0x0] =	wrdreg $0x0  }
0xa8: {  	s4 =	sshll.u32 s28, $0x1;
	[dreg:$0x2] =	wrdreg s2  }
0xa9: {  	[dreg:$0x3] =	wrdreg s4  }
0xaa: {  	[dreg:$0x4] =	wrdreg $0xC0  }
0xab: {  	_ =	task [dreg:s6], $0x5FFFF  }
0xac: {  	[dreg:$0x1] =	wrdreg $0xFFFFFFFF  }
0xad: {  	[dreg:$0x0] =	wrdreg $0x60  }
0xae: {  	[dreg:$0x2] =	wrdreg s24  }
0xaf: {  	[dreg:$0x3] =	wrdreg $0x50000  }
0xb0: {  	[dreg:$0x4] =	wrdreg $0x99800  }
0xb1: {  	[dreg:$0x5] =	wrdreg $0x68800  }
0xb2: {  	[dreg:$0x6] =	wrdreg $0xB2000  }
0xb3: {  	[dreg:$0x7] =	wrdreg $0x81000  }
0xb4: {  	[dreg:$0x8] =	wrdreg $0xCA800  }
0xb5: {  	[dreg:$0x9] =	wrdreg $0x9  }
0xb6: {  	_ =	task.clear_ibuf [dreg:s6], $0xAFFFF;
	_ =	strace $0x90000049  }
0xb7: {  	s29 =	simm.s32 $0x9;
	_ =	strace $0x8000004B  }
0xb8: {  	_ =	swait.ge [sflag:s29], $0x1  }
0xb9: {  	[sflag:s29] =	ssyncadd.s32 $0xFFFFFFFF  }
0xba: {  	_ =	strace $0x9000004B  }
0xbb: {  	_ =	sfence  }
0xbc: {  	s30 =	sld [smem:$0x0];
	_ =	sdelay $0x2  }
0xbd: {  	s31 =	sshll.u32 s1, $0xD;
	s1 =	sshrl.u32 s1, $0x2  }
0xbe: {  	s3 =	sand.u32 $0x4000, s31;
	s1 =	sadd.s32 s1, s30  }
0xbf: {  	s0 =	sor.u32 s3, s0;
	s1 =	sshll.u32 s1, $0x11  }
0xc0: {  	s0 =	sor.u32 s1, s0  }
0xc1: {  	s0 =	sadd.s32 $0x8F2B, s0  }
0xc2: {  	[sflag:s0] =	ssyncadd.remote.s32 $0x1  }
0xc3: {  	_ =	sfence.sel $0xFFFF  }
0xc4: {  	[dreg:$0x0] =	wrdreg $0xFFFFFFFF;
	(pc) =	sbr.abs _section_cstart, $3  }
0xc5: {  	[dreg:$0x1] =	wrdreg $0xFFFFFFFF  }
0xc6: {  	_ =	task.clear_ibuf [dreg:s6], $0x2FFFF;
	_ =	strace $0x9FFFFFFF  }
0xc7: {  	(tm) =	ssettm $0x7FFFFFFF  }
tec
execute0_lowered:
.L_overlay_start_1:
0x0: {  	(tag) =	ssettag $0x1  }
0x1: {  	s0 =	rddreg [dreg:$0x0]  }
0x2: {  	s1 =	rddreg [dreg:$0x1]  }
0x3: {  	s2 =	rddreg [dreg:$0x2]  }
0x4: {  	s3 =	rddreg [dreg:$0x3]  }
0x5: {  	s4 =	rddreg [dreg:$0x4]  }
0x6: {  	s6 =	rddreg [dreg:$0x5]  }
0x7: {  	s7 =	rddreg [dreg:$0x6]  }
0x8: {  	s8 =	simm.s32 $0x0;
	s16 =	stileid.u32;
	s10 =	srdreg.scid  }
0x9: {  	s28 =	simm.s32 $0x1000;
	s29 =	simm.s32 $0xFA0;
	s30 =	simm.s32 $0x2000  }
0xa: {  	s31 =	simm.s32 $0x3000;
	[smem:$0x7FF] =	sst s8;
	s5 =	smul.u32 $0xC350, s16  }
0xb: {  	s9 =	smul.u32 $0x1880, s16;
	s12 =	sand.u32 $0x1, s10;
	s14 =	sadd.s32 $0x195800, s0  }
0xc: {  	s21 =	sshll.u32 s16, $0x6;
	_ =	strace $0x8000004A;
	s11 =	ssub.s32 $0x2, s12  }
0xd: {  	p0 =	seq.s32 s12, $0x1;
	s12 =	smul.u32 $0x61A8, s12;
	s5 =	sadd.s32 s5, s0  }
0xe: {  	s18 =	sshrl.u32 s9, $0x3;
	s19 =	sshrl.u32 s11, $0x1;
	s20 =	sadd.s32 s9, s1  }
0xf: {  	s16 =	sadd.s32 s9, s2;
	s24 =	sadd.s32 s9, s3;
	s17 =	sadd.s32 s9, s4  }
0x10: {  	s26 =	sadd.s32 s9, s6;
	s13 =	sadd.s32 s18, s0;
	[dreg:$0x8] =	wrdreg s20  }
0x11: {  	s15 =	ssub.s32 s11, s19;
	s11 =	sor.u32 $0x1C07, s21;
	[dreg:$0xb] =	wrdreg s24  }
0x12: {  	s0 =	sadd.s32 $0x195830, s0;
	s18 =	smov.u32 s14;
	s19 =	simm.s32 $0x40  }
0x13: {  	[dreg:$0xd] =	wrdreg s26;
	s5 =	sadd.s32 s12, s5;
	s24 =	sshrl.u32 s16, $0x3  }
0x14: {  	s12 =	simm.s32 $0x3;
	s22 =	sadd.s32 $0x189000, s13;
	s23 =	sadd.s32 $0x192600, s13  }
0x15: {  	s18 =	smov.u32 @p0 s0;
	s19 =	simm.s32 @!p0 $0x10;
	[dreg:$0x13] =	wrdreg s24  }
0x16: {  	s0 =	simm.s32 $0x50;
	s25 =	sadd.s32 $0x18F400, s13;
	[dreg:$0x9] =	wrdreg s22  }
0x17: {  	s20 =	sadd.s32 $0x18C200, s13;
	s21 =	smax.u32 s15, $0x1;
	[dreg:$0xa] =	wrdreg s23  }
0x18: {  	s13 =	simm.s32 $0x4;
	s15 =	simm.s32 $0x6;
	[dreg:$0xc] =	wrdreg s25  }
0x19: {  	s0 =	simm.s32 @!p0 $0x20;
	s19 =	sadd.s32 s19, s14;
	[dreg:$0xe] =	wrdreg s20  }
0x1a: {  	[dreg:$0xf] =	wrdreg s21;
	s22 =	sadd.s32 s9, s18;
	s21 =	sadd.s32 $0xC5A00, s5  }
0x1b: {  	s25 =	sshrl.u32 s17, $0x3;
	s18 =	simm.s32 $0x0;
	s0 =	sadd.s32 s0, s14  }
0x1c: {  	s14 =	sadd.s32 s9, s7;
	[dreg:$0x10] =	wrdreg s22;
	s23 =	sadd.s32 s9, s19  }
0x1d: {  	s22 =	sadd.s32 $0x2400, s5;
	[dreg:$0x14] =	wrdreg s25;
	s5 =	simm.s32 $0x1  }
0x1e: {  	[dreg:$0x11] =	wrdreg s23;
	s0 =	sadd.s32 s9, s0;
	s26 =	sshrl.u32 s14, $0x3  }
0x1f: {  	s9 =	simm.s32 $0x2;
	s14 =	simm.s32 $0x5;
	[dreg:$0x12] =	wrdreg s0  }
0x20: {  	[dreg:$0x15] =	wrdreg s26;
	s26 =	simm.s32 $0x7;
	s0 =	simm.s32 $0x4000  }
.LBB2_1:
0x21: {  	s10 =	rddreg [dreg:$0x8]  }
0x22: {  	s19 =	sshrl.u32 s10, $0x3;
	s10 =	rddreg [dreg:$0x9]  }
0x23: {  	[spmem:s19], [sflag:s11] =	dma.local [hbm:s10], $0x310  }
0x24: {  	_ =	swait.ge [sflag:s26], $0x310  }
0x25: {  	[sflag:s26] =	ssyncset.done $0x0;
	s16 =	rddreg [dreg:$0xa]  }
0x26: {  	s17 =	rddreg [dreg:$0x13];
	[sflag:s26] =	ssyncadd.s32 $0xFFFFFCF0  }
0x27: {  	[spmem:s17], [sflag:s11] =	dma.local [hbm:s16], $0x310  }
0x28: {  	_ =	swait.ge [sflag:s26], $0x310  }
0x29: {  	[sflag:s26] =	ssyncset.done $0x0;
	s20 =	rddreg [dreg:$0xb]  }
0x2a: {  	[sflag:s26] =	ssyncadd.s32 $0xFFFFFCF0;
	s20 =	sshrl.u32 s20, $0x3  }
0x2b: {  	[spmem:s20], [sflag:s11] =	dma.local [hbm:s10], $0x310  }
0x2c: {  	_ =	swait.ge [sflag:s26], $0x310  }
0x2d: {  	[sflag:s26] =	ssyncset.done $0x0;
	s23 =	rddreg [dreg:$0xc]  }
0x2e: {  	s24 =	rddreg [dreg:$0x14];
	[sflag:s26] =	ssyncadd.s32 $0xFFFFFCF0  }
0x2f: {  	[spmem:s24], [sflag:s11] =	dma.local [hbm:s23], $0x310  }
0x30: {  	_ =	swait.ge [sflag:s26], $0x310  }
0x31: {  	[sflag:s26] =	ssyncset.done $0x0;
	s25 =	rddreg [dreg:$0xd]  }
0x32: {  	[sflag:s26] =	ssyncadd.s32 $0xFFFFFCF0;
	s23 =	sshrl.u32 s25, $0x3  }
0x33: {  	[spmem:s23], [sflag:s11] =	dma.local [hbm:s10], $0x310  }
0x34: {  	_ =	swait.ge [sflag:s26], $0x310  }
0x35: {  	[sflag:s26] =	ssyncset.done $0x0;
	s16 =	rddreg [dreg:$0xe]  }
0x36: {  	s17 =	rddreg [dreg:$0x15];
	[sflag:s26] =	ssyncadd.s32 $0xFFFFFCF0  }
0x37: {  	[spmem:s17], [sflag:s11] =	dma.local [hbm:s16], $0x310  }
0x38: {  	_ =	swait.ge [sflag:s26], $0x310  }
0x39: {  	[sflag:s26] =	ssyncset.done $0x0  }
0x3a: {  	[sflag:s26] =	ssyncadd.s32 $0xFFFFFCF0  }
0x3b: {  	s24 =	sadd.s32 $0x0, s21;
	[bflag:$0x0] =	sbarrier.arrive $0xFFFF  }
0x3c: {  	[tilespmem:s8], [sflag:$0x7] =	stream.linear.gather [hbm4b:s24+s8], $0xFA0, $0x38;
	[tilespmem:$0xE300] =	vst v63  }
0x3d: {  	_ =	swait.ge [sflag:s26], $0xFA0  }
0x3e: {  	[sflag:s26] =	ssyncset.done $0x0  }
0x3f: {  	s25 =	sadd.s32 $0x0, s22;
	[sflag:s26] =	ssyncadd.s32 $0xFFFFF060  }
0x40: {  	[tilespmem:s28], [sflag:$0x7] =	stream.linear.gather [hbm4b:s25+s8], $0xFA0, $0x38;
	[tilespmem:$0xE300] =	vst v63  }
0x41: {  	_ =	swait.ge [sflag:s26], $0xFA0  }
0x42: {  	[sflag:s26] =	ssyncset.done $0x0  }
0x43: {  	[sflag:s26] =	ssyncadd.s32 $0xFFFFF060  }
0x44: {  	[tilespmem:s30], [sflag:$0x1] =	stream.indirect.gather [spmem:s2], $0x1, s8, s29, $0xb8;
	[tilespmem:$0xE300] =	vst v63  }
0x45: {  	_ = 	snop  }
0x46: {  	[tilespmem:s31], [sflag:$0x2] =	stream.indirect.gather [spmem:s4], $0x1, s8, s29, $0xb8;
	[tilespmem:$0xE300] =	vst v63  }
0x47: {  	_ = 	snop  }
0x48: {  	[tilespmem:s0], [sflag:$0x3] =	stream.indirect.gather [spmem:s7], $0x1, s8, s29, $0xb8;
	[tilespmem:$0xE300] =	vst v63  }
0x49: {  	_ =	swait.ge [sflag:s5], $0xFA0  }
0x4a: {  	[sflag:s5] =	ssyncset.done $0x0  }
0x4b: {  	[sflag:s5] =	ssyncadd.s32 $0xFFFFF060  }
0x4c: {  	[spmem:s1] =	stream.indirect.scatter.add.f32 [tilespmem:s30], [sflag:$0x4], $0x1, s28, s29, $0xb8;
	[tilespmem:$0xE300] =	vst v63  }
0x4d: {  	_ =	swait.ge [sflag:s9], $0xFA0  }
0x4e: {  	[sflag:s9] =	ssyncset.done $0x0  }
0x4f: {  	[sflag:s9] =	ssyncadd.s32 $0xFFFFF060  }
0x50: {  	[spmem:s3] =	stream.indirect.scatter.add.f32 [tilespmem:s31], [sflag:$0x5], $0x1, s28, s29, $0xb8;
	[tilespmem:$0xE300] =	vst v63  }
0x51: {  	_ =	swait.ge [sflag:s12], $0xFA0  }
0x52: {  	[sflag:s12] =	ssyncset.done $0x0  }
0x53: {  	[sflag:s12] =	ssyncadd.s32 $0xFFFFF060  }
0x54: {  	[spmem:s6] =	stream.indirect.scatter.add.f32 [tilespmem:s0], [sflag:$0x6], $0x1, s28, s29, $0xb8;
	[tilespmem:$0xE300] =	vst v63  }
0x55: {  	_ =	swait.ge [sflag:s13], $0xFA0  }
0x56: {  	[sflag:s13] =	ssyncset.done $0x0  }
0x57: {  	[sflag:s13] =	ssyncadd.s32 $0xFFFFF060  }
0x58: {  	_ =	swait.ge [sflag:s14], $0xFA0  }
0x59: {  	[sflag:s14] =	ssyncset.done $0x0  }
0x5a: {  	[sflag:s14] =	ssyncadd.s32 $0xFFFFF060  }
0x5b: {  	_ =	swait.ge [sflag:s15], $0xFA0  }
0x5c: {  	s24 =	simm.s32 $0x1F4;
	s25 =	simm.s32 $0x3E8;
	[sflag:s15] =	ssyncset.done $0x0  }
.LBB2_2:
0x5d: {  	s17 =	sadd.s32 s24, s21  }
0x5e: {  	[sflag:s15] =	ssyncadd.s32 $0xFFFFF060;
	s10 =	smov.u32 s25;
	s16 =	sadd.s32 $0x1F4, s25  }
0x5f: {  	[tilespmem:s8], [sflag:$0x7] =	stream.linear.gather [hbm4b:s17+s8], $0xFA0, $0x38;
	[tilespmem:$0xE300] =	vst v63  }
0x60: {  	p0 =	sne.s32 s25, $0x5FB4;
	_ =	swait.ge [sflag:s26], $0xFA0  }
0x61: {  	[sflag:s26] =	ssyncset.done $0x0  }
0x62: {  	s17 =	sadd.s32 s24, s22;
	s24 =	smov.u32 s10;
	[sflag:s26] =	ssyncadd.s32 $0xFFFFF060  }
0x63: {  	[tilespmem:s28], [sflag:$0x7] =	stream.linear.gather [hbm4b:s17+s8], $0xFA0, $0x38;
	[tilespmem:$0xE300] =	vst v63  }
0x64: {  	_ =	swait.ge [sflag:s26], $0xFA0  }
0x65: {  	[sflag:s26] =	ssyncset.done $0x0  }
0x66: {  	[sflag:s26] =	ssyncadd.s32 $0xFFFFF060  }
0x67: {  	[tilespmem:s30], [sflag:$0x1] =	stream.indirect.gather [spmem:s2], $0x1, s8, s29, $0xb8;
	[tilespmem:$0xE300] =	vst v63  }
0x68: {  	_ = 	snop  }
0x69: {  	[tilespmem:s31], [sflag:$0x2] =	stream.indirect.gather [spmem:s4], $0x1, s8, s29, $0xb8;
	[tilespmem:$0xE300] =	vst v63  }
0x6a: {  	_ = 	snop  }
0x6b: {  	[tilespmem:s0], [sflag:$0x3] =	stream.indirect.gather [spmem:s7], $0x1, s8, s29, $0xb8;
	[tilespmem:$0xE300] =	vst v63  }
0x6c: {  	_ =	swait.ge [sflag:s5], $0xFA0  }
0x6d: {  	[sflag:s5] =	ssyncset.done $0x0  }
0x6e: {  	[sflag:s5] =	ssyncadd.s32 $0xFFFFF060  }
0x6f: {  	[spmem:s1] =	stream.indirect.scatter.add.f32 [tilespmem:s30], [sflag:$0x4], $0x1, s28, s29, $0xb8;
	[tilespmem:$0xE300] =	vst v63  }
0x70: {  	_ =	swait.ge [sflag:s9], $0xFA0  }
0x71: {  	[sflag:s9] =	ssyncset.done $0x0  }
0x72: {  	[sflag:s9] =	ssyncadd.s32 $0xFFFFF060  }
0x73: {  	[spmem:s3] =	stream.indirect.scatter.add.f32 [tilespmem:s31], [sflag:$0x5], $0x1, s28, s29, $0xb8;
	[tilespmem:$0xE300] =	vst v63  }
0x74: {  	_ =	swait.ge [sflag:s12], $0xFA0  }
0x75: {  	[sflag:s12] =	ssyncset.done $0x0  }
0x76: {  	[sflag:s12] =	ssyncadd.s32 $0xFFFFF060  }
0x77: {  	[spmem:s6] =	stream.indirect.scatter.add.f32 [tilespmem:s0], [sflag:$0x6], $0x1, s28, s29, $0xb8;
	[tilespmem:$0xE300] =	vst v63  }
0x78: {  	_ =	swait.ge [sflag:s13], $0xFA0  }
0x79: {  	[sflag:s13] =	ssyncset.done $0x0  }
0x7a: {  	[sflag:s13] =	ssyncadd.s32 $0xFFFFF060  }
.Ltmp0:
0x7b: {  	_ =	swait.ge [sflag:s14], $0xFA0;
	(pc) =	sbr.rel @p0 .LBB2_2-.Ltmp0, $4  }
0x7c: {  	[sflag:s14] =	ssyncset.done $0x0  }
0x7d: {  	[sflag:s14] =	ssyncadd.s32 $0xFFFFF060  }
0x7e: {  	_ =	swait.ge [sflag:s15], $0xFA0  }
0x7f: {  	s25 =	smov.u32 s16;
	[sflag:s15] =	ssyncset.done $0x0  }
0x80: {  	s10 =	sadd.s32 s24, s21;
	[sflag:s15] =	ssyncadd.s32 $0xFFFFF060  }
0x81: {  	[tilespmem:s8], [sflag:$0x7] =	stream.linear.gather [hbm4b:s10+s8], $0xFA0, $0x38;
	[tilespmem:$0xE300] =	vst v63  }
0x82: {  	_ =	swait.ge [sflag:s26], $0xFA0  }
0x83: {  	[sflag:s26] =	ssyncset.done $0x0  }
0x84: {  	s24 =	sadd.s32 s24, s22;
	[sflag:s26] =	ssyncadd.s32 $0xFFFFF060  }
0x85: {  	[tilespmem:s28], [sflag:$0x7] =	stream.linear.gather [hbm4b:s24+s8], $0xFA0, $0x38;
	[tilespmem:$0xE300] =	vst v63  }
0x86: {  	_ =	swait.ge [sflag:s26], $0xFA0  }
0x87: {  	[sflag:s26] =	ssyncset.done $0x0  }
0x88: {  	[sflag:s26] =	ssyncadd.s32 $0xFFFFF060  }
0x89: {  	[tilespmem:s30], [sflag:$0x1] =	stream.indirect.gather [spmem:s2], $0x1, s8, s29, $0xb8;
	[tilespmem:$0xE300] =	vst v63  }
0x8a: {  	_ = 	snop  }
0x8b: {  	[tilespmem:s31], [sflag:$0x2] =	stream.indirect.gather [spmem:s4], $0x1, s8, s29, $0xb8;
	[tilespmem:$0xE300] =	vst v63  }
0x8c: {  	_ = 	snop  }
0x8d: {  	[tilespmem:s0], [sflag:$0x3] =	stream.indirect.gather [spmem:s7], $0x1, s8, s29, $0xb8;
	[tilespmem:$0xE300] =	vst v63  }
0x8e: {  	_ =	swait.ge [sflag:s5], $0xFA0  }
0x8f: {  	[sflag:s5] =	ssyncset.done $0x0  }
0x90: {  	[sflag:s5] =	ssyncadd.s32 $0xFFFFF060  }
0x91: {  	[spmem:s1] =	stream.indirect.scatter.add.f32 [tilespmem:s30], [sflag:$0x4], $0x1, s28, s29, $0xb8;
	[tilespmem:$0xE300] =	vst v63  }
0x92: {  	_ =	swait.ge [sflag:s9], $0xFA0  }
0x93: {  	[sflag:s9] =	ssyncset.done $0x0  }
0x94: {  	[sflag:s9] =	ssyncadd.s32 $0xFFFFF060  }
0x95: {  	[spmem:s3] =	stream.indirect.scatter.add.f32 [tilespmem:s31], [sflag:$0x5], $0x1, s28, s29, $0xb8;
	[tilespmem:$0xE300] =	vst v63  }
0x96: {  	_ =	swait.ge [sflag:s12], $0xFA0  }
0x97: {  	[sflag:s12] =	ssyncset.done $0x0  }
0x98: {  	[sflag:s12] =	ssyncadd.s32 $0xFFFFF060  }
0x99: {  	[spmem:s6] =	stream.indirect.scatter.add.f32 [tilespmem:s0], [sflag:$0x6], $0x1, s28, s29, $0xb8;
	[tilespmem:$0xE300] =	vst v63  }
0x9a: {  	_ =	swait.ge [sflag:s13], $0xFA0  }
0x9b: {  	[sflag:s13] =	ssyncset.done $0x0  }
0x9c: {  	[sflag:s13] =	ssyncadd.s32 $0xFFFFF060  }
0x9d: {  	_ =	swait.ge [sflag:s14], $0xFA0  }
0x9e: {  	[sflag:s14] =	ssyncset.done $0x0  }
0x9f: {  	[sflag:s14] =	ssyncadd.s32 $0xFFFFF060  }
0xa0: {  	_ =	swait.ge [sflag:s15], $0xFA0  }
0xa1: {  	[sflag:s15] =	ssyncset.done $0x0  }
0xa2: {  	[sflag:s15] =	ssyncadd.s32 $0xFFFFF060  }
0xa3: {  	[bflag:$0x0] =	sbarrier.arrive $0xFFFF  }
0xa4: {  	s16 =	simm.s32 $0x80;
	s17 =	simm.s32 $0x10;
	s25 =	rddreg [dreg:$0x10]  }
0xa5: {  	[hbm:s25@s16], [sflag:s11] =	dma.strided [spmem:s19@s17], $0x310, s5, $0x10   }
0xa6: {  	_ =	swait.ge [sflag:s26], $0x310  }
0xa7: {  	[sflag:s26] =	ssyncset.done $0x0  }
0xa8: {  	s19 =	rddreg [dreg:$0x11];
	[sflag:s26] =	ssyncadd.s32 $0xFFFFFCF0  }
0xa9: {  	[hbm:s19@s16], [sflag:s11] =	dma.strided [spmem:s20@s17], $0x310, s5, $0x10   }
0xaa: {  	_ =	swait.ge [sflag:s26], $0x310  }
0xab: {  	[sflag:s26] =	ssyncset.done $0x0  }
0xac: {  	s24 =	rddreg [dreg:$0x12];
	[sflag:s26] =	ssyncadd.s32 $0xFFFFFCF0  }
0xad: {  	[hbm:s24@s16], [sflag:s11] =	dma.strided [spmem:s23@s17], $0x310, s5, $0x10   }
0xae: {  	_ =	swait.ge [sflag:s26], $0x310  }
0xaf: {  	s18 =	sadd.s32 $0x1, s18;
	s25 =	rddreg [dreg:$0xf]  }
0xb0: {  	p0 =	sne.s32 s18, s25  }
.Ltmp1:
0xb1: {  	_ = 	snop;
	(pc) =	sbr.rel @p0 .LBB2_1-.Ltmp1, $3  }
0xb2: {  	_ =	sdelay $0x1  }
0xb3: {  	[sflag:s26] =	ssyncset.done $0x0  }
0xb4: {  	[sflag:s26] =	ssyncadd.s32 $0xFFFFFCF0  }
0xb5: {  	_ =	sfence.sel $0x180000  }
0xb6: {  	[bflag:$0x0] =	sbarrier.arrive $0xFFFF  }
0xb7: {  	_ =	strace $0x9000004A  }
0xb8: {  	s0 =	stileid.u32;
	[bflag:$0x2] =	sbarrier.arrive $0xFFFF  }
0xb9: {  	p0 =	sne.s32 s0, $0x0;
	s0 =	rddreg [dreg:$0x7]  }
0xba: {  	s0 =	sadd.s32 @!p0 $0x100000, s0  }
0xbb: {  	[sflag:s0] =	ssyncadd.tile.s32 @!p0 $0x1;
	_ =	shalt  }
.Lfunc_end2:
_tile_overlayer_lowered:
.L_overlay_start_2:
0xbc: {  	(tag) =	ssettag $0x2  }
0xbd: {  	s0 =	rddreg [dreg:$0x0];
	s2 =	stileid.u32  }
0xbe: {  	s1 =	rddreg [dreg:$0x1];
	p0 =	sne.s32 s2, $0x0  }
0xbf: {  	s3 =	rddreg [dreg:$0x2];
	[bflag:$0x3] =	sbarrier.arrive $0xFFFF;
	s2 =	simm.s32 @!p0 $0x1C07  }
0xc0: {  	[timem:s3], [sflag:s2] =	dma.local @!p0 [hbm:s0], s1  }
0xc1: {  	s0 =	simm.s32 @!p0 $0x7  }
0xc2: {  	_ =	swait.ge @!p0 [sflag:s0], s1  }
0xc3: {  	s1 =	ssub.s32 @!p0 $0x0, s1;
	[sflag:s0] =	ssyncset.done @!p0 $0x0  }
0xc4: {  	[sflag:s0] =	ssyncadd.s32 @!p0 s1  }
0xc5: {  	[bflag:$0x3] =	sbarrier.arrive $0xFFFF  }
0xc6: {  	_ =	shalt  }

// kernel: kernel.14.cloned.1.call-start
scs
__scs_entry_jumppad:
0x0: {  	(pc) =	sbr.rel $0x88, $3  }
0x1: {  	(tag) =	ssettag $0x0;
	lr =	simm.s32 $0x1  }
0x2: {  	[smem:$0x3F9B] =	sst lr;
	_ =	strace $0xD0000000  }
0x3: {  	_ = 	snop  }
0x4: {  	_ = 	snop  }
0x5: {  	_ = 	snop  }
0x6: {  	_ = 	snop  }
0x7: {  	_ = 	snop  }
__scs_overlays_trampoline_lowered:
0x8: {  	[smem:$0x3FAA] =	sst s0  }
0x9: {  	[smem:$0x3FAB] =	sst s1  }
0xa: {  	[smem:$0x3FAC] =	sst s2  }
0xb: {  	[smem:$0x3FAD] =	sst s3  }
0xc: {  	[smem:$0x3FAE] =	sst s4  }
0xd: {  	[smem:$0x3FAF] =	sst s5  }
0xe: {  	[smem:$0x3FB0] =	sst s6  }
0xf: {  	[smem:$0x3FB1] =	sst s7  }
0x10: {  	[smem:$0x3FB2] =	sst s8  }
0x11: {  	[smem:$0x3FB3] =	sst s9;
	s0 =	simm.s32 @!p0 $0x0  }
0x12: {  	s1 =	sld [smem:$0x3F99];
	s0 =	simm.s32 @p0 $0x1  }
0x13: {  	[smem:$0x3FB4] =	sst s0;
	s0 =	simm.s32 @!p1 $0x0  }
0x14: {  	s2 =	sld [smem:$0x3F98];
	s0 =	simm.s32 @p1 $0x1  }
0x15: {  	[smem:$0x3FB5] =	sst s0;
	s0 =	simm.s32 @!p2 $0x0  }
0x16: {  	s3 =	sld [smem:$0x3FDB];
	s0 =	simm.s32 @p2 $0x1  }
0x17: {  	s4 =	simm.s32 $0x1BF5;
	[smem:$0x3FB7] =	sst s0  }
0x18: {  	s0 =	sld [smem:$0x3F9A];
	_ =	swait.ge [sflag:s4], $0x0  }
0x19: {  	s7 =	sld [smem:$0x3F9B]  }
0x1a: {  	s8 =	sadd.s32 $0xFFFFE003, lr  }
0x1b: {  	s9 =	sadd.s32 $0xFFFFFEF7, lr;
	s5 =	simm.s32 $0xFFFFFFFF;
	p2 =	slt.u32 s8, $0xFFFFF086  }
0x1c: {  	p1 =	slt.u32 s9, $0xF7A;
	s5 =	simm.s32 @!p2 $0x0  }
0x1d: {  	s5 =	simm.s32 @p1 $0x1;
	p0 =	seq.s32 s7, s2  }
0x1e: {  	s7 =	smul.u32 @!p0 $0xF7A, s2;
	p2 =	seq.s32 @!p0 s5, $0x0  }
0x1f: {  	s9 =	smul.u32 $0xF7A, s1;
	s8 =	simm.s32 @!p0 $0x1BF5;
	p2 =	por !p2, p0  }
0x20: {  	[sflag:s8] =	ssyncset.s32 @!p0 $0xFFFFF086;
	s6 =	sadd.s32 @!p0 s3, s7;
	s7 =	simm.s32 @!p0 $0x108  }
0x21: {  	s3 =	sadd.s32 s3, s9;
	s6 =	sadd.s32 @!p0 $0x88, s6;
	s7 =	simm.s32 @p2 $0x1082  }
0x22: {  	[simem:s7], [sflag:s8] =	dma.local @!p0 [hbm:s6], $0xF7A  }
0x23: {  	s9 =	sor.u32 $0xD0000000, s2;
	s6 =	simm.s32 $0x108;
	_ =	swait.ge @!p0 [sflag:s8], $0x0  }
0x24: {  	s3 =	sadd.s32 $0x88, s3;
	s6 =	simm.s32 @!p1 $0x1082;
	[sflag:s4] =	ssyncset.s32 $0xFFFFF086  }
0x25: {  	[simem:s6], [sflag:s4] =	dma.local [hbm:s3], $0xF7A  }
0x26: {  	[smem:$0x3F9B] =	sst s1;
	(tag) =	ssettag s2;
	_ =	strace s9  }
0x27: {  	s1 =	sld [smem:$0x3FAB]  }
0x28: {  	s2 =	sld [smem:$0x3FAC]  }
0x29: {  	s4 =	sld [smem:$0x3FAE]  }
0x2a: {  	p0 =	seq.s32 s5, $0x0;
	s5 =	sld [smem:$0x3FAF]  }
0x2b: {  	s6 =	sld [smem:$0x3FB0]  }
0x2c: {  	s7 =	sld [smem:$0x3FB1]  }
0x2d: {  	s3 =	simm.s32 $0x108;
	s8 =	sld [smem:$0x3FB2]  }
0x2e: {  	s3 =	simm.s32 @!p0 $0x1082;
	s9 =	sld [smem:$0x3FB3]  }
0x2f: {  	lr =	sadd.s32 s0, s3;
	s0 =	sld [smem:$0x3FAA]  }
0x30: {  	s3 =	sld [smem:$0x3FAD]  }
0x31: {  	[smem:$0x3FB6] =	sst s10  }
0x32: {  	s10 =	sld [smem:$0x3FB4];
	_ =	sdelay $0x3  }
0x33: {  	p0 =	seq.s32 s10, $0x1;
	s10 =	sld [smem:$0x3FB6];
	_ =	sdelay $0x3  }
0x34: {  	[smem:$0x3FB6] =	sst s10  }
0x35: {  	s10 =	sld [smem:$0x3FB5];
	_ =	sdelay $0x3  }
0x36: {  	p1 =	seq.s32 s10, $0x1;
	s10 =	sld [smem:$0x3FB6];
	_ =	sdelay $0x3  }
0x37: {  	[smem:$0x3FB6] =	sst s10  }
0x38: {  	s10 =	sld [smem:$0x3FB7]  }
0x39: {  	_ = 	snop;
	(pc) =	sbr.ind lr, $3  }
0x3a: {  	_ = 	snop  }
0x3b: {  	_ = 	snop  }
0x3c: {  	p2 =	seq.s32 s10, $0x1;
	s10 =	sld [smem:$0x3FB6]  }
0x3d: {  	_ =	shalt  }
0x3e: {  	_ =	shalt  }
0x3f: {  	_ =	shalt  }
0x40: {  	_ =	shalt  }
0x41: {  	_ =	shalt  }
0x42: {  	_ =	shalt  }
0x43: {  	_ =	shalt  }
0x44: {  	_ =	shalt  }
0x45: {  	_ =	shalt  }
0x46: {  	_ =	shalt  }
0x47: {  	_ =	shalt  }
0x48: {  	_ =	shalt  }
0x49: {  	_ =	shalt  }
0x4a: {  	_ =	shalt  }
0x4b: {  	_ =	shalt  }
0x4c: {  	_ =	shalt  }
0x4d: {  	_ =	shalt  }
0x4e: {  	_ =	shalt  }
0x4f: {  	_ =	shalt  }
0x50: {  	_ =	shalt  }
0x51: {  	_ =	shalt  }
0x52: {  	_ =	shalt  }
0x53: {  	_ =	shalt  }
0x54: {  	_ =	shalt  }
0x55: {  	_ =	shalt  }
0x56: {  	_ =	shalt  }
0x57: {  	_ =	shalt  }
0x58: {  	_ =	shalt  }
0x59: {  	_ =	shalt  }
0x5a: {  	_ =	shalt  }
0x5b: {  	_ =	shalt  }
0x5c: {  	_ =	shalt  }
0x5d: {  	_ =	shalt  }
0x5e: {  	_ =	shalt  }
0x5f: {  	_ =	shalt  }
0x60: {  	_ =	shalt  }
0x61: {  	_ =	shalt  }
0x62: {  	_ =	shalt  }
0x63: {  	_ =	shalt  }
0x64: {  	_ =	shalt  }
0x65: {  	_ =	shalt  }
0x66: {  	_ =	shalt  }
0x67: {  	_ =	shalt  }
0x68: {  	_ =	shalt  }
0x69: {  	_ =	shalt  }
0x6a: {  	_ =	shalt  }
0x6b: {  	_ =	shalt  }
0x6c: {  	_ =	shalt  }
0x6d: {  	_ =	shalt  }
0x6e: {  	_ =	shalt  }
0x6f: {  	_ =	shalt  }
0x70: {  	_ =	shalt  }
0x71: {  	_ =	shalt  }
0x72: {  	_ =	shalt  }
0x73: {  	_ =	shalt  }
0x74: {  	_ =	shalt  }
0x75: {  	_ =	shalt  }
0x76: {  	_ =	shalt  }
0x77: {  	_ =	shalt  }
0x78: {  	_ =	shalt  }
0x79: {  	_ =	shalt  }
0x7a: {  	_ =	shalt  }
0x7b: {  	_ =	shalt  }
0x7c: {  	_ =	shalt  }
0x7d: {  	_ =	shalt  }
0x7e: {  	_ =	shalt  }
0x7f: {  	_ =	shalt  }
0x80: {  	_ =	shalt  }
0x81: {  	_ =	shalt  }
0x82: {  	_ =	shalt  }
0x83: {  	_ =	shalt  }
0x84: {  	_ =	shalt  }
0x85: {  	_ =	shalt  }
0x86: {  	_ =	shalt  }
0x87: {  	_ =	shalt  }
.Lfunc_end0:
.L_simem_size_0:
called_computation.2_lowered:
.L_overlay_start_0:
0x88: {  	s2 =	sld [smem:$0x3FD9]  }
0x89: {  	s3 =	sld [smem:$0x3FFE];
	_ =	sdelay $0x1  }
0x8a: {  	s1 =	srdreg.scid  }
0x8b: {  	s0 =	sand.u32 $0x1, s1  }
0x8c: {  	s16 =	sshll.u32 s0, $0xA;
	s2 =	sadd.s32 s3, s2  }
0x8d: {  	s2 =	sadd.s32 s2, s16  }
0x8e: {  	[smem:$0x3FC2] =	sst s2  }
0x8f: {  	_ = 	snop  }
0x90: {  	(tm) =	ssettm $0x1  }
0x91: {  	s17 =	sld [smem:$0x3FFB];
	_ =	sdelay $0x3  }
0x92: {  	_ =	strace s17  }
0x93: {  	s2 =	sld [smem:$0x3FFC];
	_ =	sdelay $0x3  }
0x94: {  	_ =	strace s2  }
0x95: {  	s2 =	sld [smem:$0x3FFD];
	_ =	sdelay $0x3  }
0x96: {  	_ =	strace s2  }
0x97: {  	_ =	strace $0x8FFFFFFF  }
0x98: {  	s18 =	sld [smem:$0x3FDB];
	_ =	sdelay $0x1  }
0x99: {  	s19 =	simm.s32 $_scs_section_size  }
0x9a: {  	s4 =	simm.s32 $_size__tile_overlayer_lowered;
	s5 =	simm.s32 $_tile_overlayer_lowered  }
0x9b: {  	s22 =	simm.s32 $0x1BFF;
	s21 =	sshll.u32 s5, $0x1;
	s2 =	sadd.s32 s19, s18  }
0x9c: {  	s6 =	simm.s32 $0x0;
	s20 =	sshll.u32 s4, $0x1;
	s4 =	sadd.s32 s21, s2  }
0x9d: {  	[timem:s6], [sflag:s22] =	dma.local [hbm:s4], s20  }
0x9e: {  	_ =	swait.ge [sflag:s22], s20  }
0x9f: {  	s3 =	ssub.s32 $0x0, s20;
	[sflag:s22] =	ssyncset.done $0x0  }
0xa0: {  	[sflag:s22] =	ssyncadd.s32 s3;
	_ =	sdelay $0x1  }
0xa1: {  	s23 =	simm.s32 $0x1B8B  }
0xa2: {  	_ =	swait.ge [sflag:s23], $0x1  }
0xa3: {  	[sflag:s23] =	ssyncset.done $0x0  }
0xa4: {  	s25 =	simm.s32 $0x1B8E;
	s24 =	sld [smem:$0x3FFE];
	[sflag:s23] =	ssyncadd.s32 $0xFFFFFFFF  }
0xa5: {  	s26 =	simm.s32 $execute0_lowered;
	[smem:$0x3FD2] =	sst s25  }
0xa6: {  	s4 =	sshll.u32 s26, $0x1;
	_ =	strace $0x8000004C;
	[dreg:$0x1] =	wrdreg $0xFFFFFFFF  }
0xa7: {  	s28 =	simm.s32 $_size_execute0_lowered;
	s2 =	sadd.s32 s2, s4;
	[dreg:$0x0] =	wrdreg $0x0  }
0xa8: {  	s4 =	sshll.u32 s28, $0x1;
	[dreg:$0x2] =	wrdreg s2  }
0xa9: {  	[dreg:$0x3] =	wrdreg s4  }
0xaa: {  	[dreg:$0x4] =	wrdreg $0xC0  }
0xab: {  	_ =	task [dreg:s6], $0x5FFFF  }
0xac: {  	[dreg:$0x1] =	wrdreg $0xFFFFFFFF  }
0xad: {  	[dreg:$0x0] =	wrdreg $0x60  }
0xae: {  	[dreg:$0x2] =	wrdreg s24  }
0xaf: {  	[dreg:$0x3] =	wrdreg $0x30000  }
0xb0: {  	[dreg:$0x4] =	wrdreg $0x48800  }
0xb1: {  	[dreg:$0x5] =	wrdreg $0x9  }
0xb2: {  	_ =	task.clear_ibuf [dreg:s6], $0x6FFFF;
	_ =	strace $0x9000004C  }
0xb3: {  	s29 =	simm.s32 $0x9;
	_ =	strace $0x8000004E  }
0xb4: {  	_ =	swait.ge [sflag:s29], $0x1  }
0xb5: {  	[sflag:s29] =	ssyncadd.s32 $0xFFFFFFFF  }
0xb6: {  	_ =	strace $0x9000004E  }
0xb7: {  	_ =	sfence  }
0xb8: {  	s30 =	sld [smem:$0x0];
	_ =	sdelay $0x2  }
0xb9: {  	s31 =	sshll.u32 s1, $0xD;
	s1 =	sshrl.u32 s1, $0x2  }
0xba: {  	s3 =	sand.u32 $0x4000, s31;
	s1 =	sadd.s32 s1, s30  }
0xbb: {  	s0 =	sor.u32 s3, s0;
	s1 =	sshll.u32 s1, $0x11  }
0xbc: {  	s0 =	sor.u32 s1, s0  }
0xbd: {  	s0 =	sadd.s32 $0x8F2B, s0  }
0xbe: {  	[sflag:s0] =	ssyncadd.remote.s32 $0x1  }
0xbf: {  	_ =	sfence.sel $0xFFFF  }
0xc0: {  	[dreg:$0x0] =	wrdreg $0xFFFFFFFF;
	(pc) =	sbr.abs _section_cstart, $3  }
0xc1: {  	[dreg:$0x1] =	wrdreg $0xFFFFFFFF  }
0xc2: {  	_ =	task.clear_ibuf [dreg:s6], $0x2FFFF;
	_ =	strace $0x9FFFFFFF  }
0xc3: {  	(tm) =	ssettm $0x7FFFFFFF  }
tec
execute0_lowered:
.L_overlay_start_1:
0x0: {  	(tag) =	ssettag $0x1  }
0x1: {  	s5 =	rddreg [dreg:$0x0]  }
0x2: {  	s2 =	rddreg [dreg:$0x1]  }
0x3: {  	s3 =	rddreg [dreg:$0x2]  }
0x4: {  	s0 =	rddreg [dreg:$0x3]  }
0x5: {  	s4 =	simm.s32 $0x0;
	s1 =	stileid.u32;
	s8 =	srdreg.scid  }
0x6: {  	s16 =	simm.s32 $0xFA0;
	s17 =	simm.s32 $0x2000;
	s18 =	simm.s32 $0x1  }
0x7: {  	s19 =	simm.s32 $0x2;
	s20 =	simm.s32 $0x20;
	s21 =	simm.s32 $0x10  }
0x8: {  	s22 =	simm.s32 $0x0;
	[smem:$0x7FF] =	sst s4;
	s6 =	smul.u32 $0xC350, s1  }
0x9: {  	s7 =	smul.u32 $0x1880, s1;
	s26 =	sand.u32 $0x1, s8;
	s8 =	sshll.u32 s8, $0x4  }
0xa: {  	s28 =	smul.u32 $0x620, s1;
	s14 =	sshll.u32 s1, $0x6;
	_ =	strace $0x8000004D  }
0xb: {  	s11 =	ssub.s32 $0x2, s26;
	s8 =	sand.u32 $0x10, s8;
	s15 =	smul.u32 $0x61A8, s26  }
0xc: {  	s9 =	sadd.s32 s6, s5;
	s10 =	sshrl.u32 s7, $0x3;
	s12 =	sshrl.u32 s11, $0x1  }
0xd: {  	s8 =	sadd.s32 s8, s5;
	s13 =	sadd.s32 s7, s2;
	s6 =	sor.u32 $0x1C03, s14  }
0xe: {  	s29 =	sadd.s32 s7, s3;
	s10 =	sadd.s32 s10, s5;
	s11 =	ssub.s32 s11, s12  }
0xf: {  	s30 =	sadd.s32 s28, s8;
	s31 =	sadd.s32 s15, s9;
	s12 =	sshrl.u32 s13, $0x3  }
0x10: {  	s13 =	simm.s32 $0x3;
	s14 =	sshrl.u32 s29, $0x3;
	s15 =	simm.s32 $0x1000  }
0x11: {  	s5 =	sadd.s32 $0x189000, s10;
	s7 =	sadd.s32 $0x18C200, s10;
	s8 =	smax.u32 s11, $0x1  }
0x12: {  	s9 =	sadd.s32 $0x18F400, s30;
	s10 =	sadd.s32 $0xC5A00, s31;
	s11 =	sadd.s32 $0x2400, s31  }
.LBB2_1:
0x13: {  	[spmem:s12], [sflag:s6] =	dma.local [hbm:s5], $0x310  }
0x14: {  	_ =	swait.ge [sflag:s13], $0x310  }
0x15: {  	[sflag:s13] =	ssyncset.done $0x0  }
0x16: {  	[sflag:s13] =	ssyncadd.s32 $0xFFFFFCF0  }
0x17: {  	[spmem:s14], [sflag:s6] =	dma.local [hbm:s7], $0x310  }
0x18: {  	_ =	swait.ge [sflag:s13], $0x310  }
0x19: {  	[sflag:s13] =	ssyncset.done $0x0  }
0x1a: {  	[sflag:s13] =	ssyncadd.s32 $0xFFFFFCF0  }
0x1b: {  	s23 =	sadd.s32 $0x0, s10;
	[bflag:$0x0] =	sbarrier.arrive $0xFFFF  }
0x1c: {  	[tilespmem:s4], [sflag:$0x3] =	stream.linear.gather [hbm4b:s23+s4], $0xFA0, $0x38;
	[tilespmem:$0x6100] =	vst v63  }
0x1d: {  	_ =	swait.ge [sflag:s13], $0xFA0  }
0x1e: {  	[sflag:s13] =	ssyncset.done $0x0  }
0x1f: {  	s31 =	sadd.s32 $0x0, s11;
	[sflag:s13] =	ssyncadd.s32 $0xFFFFF060  }
0x20: {  	[tilespmem:s15], [sflag:$0x3] =	stream.linear.gather [hbm4b:s31+s4], $0xFA0, $0x38;
	[tilespmem:$0x6100] =	vst v63  }
0x21: {  	_ =	swait.ge [sflag:s13], $0xFA0  }
0x22: {  	[sflag:s13] =	ssyncset.done $0x0  }
0x23: {  	[sflag:s13] =	ssyncadd.s32 $0xFFFFF060  }
0x24: {  	[tilespmem:s17], [sflag:$0x1] =	stream.indirect.gather [spmem:s3], $0x1, s4, s16, $0xb8;
	[tilespmem:$0x6100] =	vst v63  }
0x25: {  	_ =	swait.ge [sflag:s18], $0xFA0  }
0x26: {  	[sflag:s18] =	ssyncset.done $0x0  }
0x27: {  	[sflag:s18] =	ssyncadd.s32 $0xFFFFF060  }
0x28: {  	[spmem:s2] =	stream.indirect.scatter.add.f32 [tilespmem:s17], [sflag:$0x2], $0x1, s15, s16, $0xb8;
	[tilespmem:$0x6100] =	vst v63  }
0x29: {  	_ =	swait.ge [sflag:s19], $0xFA0  }
0x2a: {  	s24 =	simm.s32 $0x3E8;
	s23 =	simm.s32 $0x1F4;
	[sflag:s19] =	ssyncset.done $0x0  }
.LBB2_2:
0x2b: {  	s25 =	sadd.s32 s23, s10  }
0x2c: {  	[sflag:s19] =	ssyncadd.s32 $0xFFFFF060;
	s26 =	smov.u32 s24;
	s28 =	sadd.s32 $0x1F4, s24  }
0x2d: {  	[tilespmem:s4], [sflag:$0x3] =	stream.linear.gather [hbm4b:s25+s4], $0xFA0, $0x38;
	[tilespmem:$0x6100] =	vst v63  }
0x2e: {  	p0 =	sne.s32 s24, $0x5FB4;
	_ =	swait.ge [sflag:s13], $0xFA0  }
0x2f: {  	[sflag:s13] =	ssyncset.done $0x0  }
0x30: {  	s24 =	sadd.s32 s23, s11;
	s23 =	smov.u32 s26;
	[sflag:s13] =	ssyncadd.s32 $0xFFFFF060  }
0x31: {  	[tilespmem:s15], [sflag:$0x3] =	stream.linear.gather [hbm4b:s24+s4], $0xFA0, $0x38;
	[tilespmem:$0x6100] =	vst v63  }
0x32: {  	_ =	swait.ge [sflag:s13], $0xFA0  }
0x33: {  	[sflag:s13] =	ssyncset.done $0x0  }
0x34: {  	[sflag:s13] =	ssyncadd.s32 $0xFFFFF060  }
0x35: {  	[tilespmem:s17], [sflag:$0x1] =	stream.indirect.gather [spmem:s3], $0x1, s4, s16, $0xb8;
	[tilespmem:$0x6100] =	vst v63  }
0x36: {  	_ =	swait.ge [sflag:s18], $0xFA0  }
.Ltmp0:
0x37: {  	[sflag:s18] =	ssyncset.done $0x0;
	(pc) =	sbr.rel @p0 .LBB2_2-.Ltmp0, $4  }
0x38: {  	[sflag:s18] =	ssyncadd.s32 $0xFFFFF060  }
0x39: {  	[spmem:s2] =	stream.indirect.scatter.add.f32 [tilespmem:s17], [sflag:$0x2], $0x1, s15, s16, $0xb8;
	[tilespmem:$0x6100] =	vst v63  }
0x3a: {  	_ =	swait.ge [sflag:s19], $0xFA0  }
0x3b: {  	s24 =	smov.u32 s28;
	[sflag:s19] =	ssyncset.done $0x0  }
0x3c: {  	s24 =	sadd.s32 s23, s10;
	[sflag:s19] =	ssyncadd.s32 $0xFFFFF060  }
0x3d: {  	[tilespmem:s4], [sflag:$0x3] =	stream.linear.gather [hbm4b:s24+s4], $0xFA0, $0x38;
	[tilespmem:$0x6100] =	vst v63  }
0x3e: {  	_ =	swait.ge [sflag:s13], $0xFA0  }
0x3f: {  	[sflag:s13] =	ssyncset.done $0x0  }
0x40: {  	s31 =	sadd.s32 s23, s11;
	[sflag:s13] =	ssyncadd.s32 $0xFFFFF060  }
0x41: {  	[tilespmem:s15], [sflag:$0x3] =	stream.linear.gather [hbm4b:s31+s4], $0xFA0, $0x38;
	[tilespmem:$0x6100] =	vst v63  }
0x42: {  	_ =	swait.ge [sflag:s13], $0xFA0  }
0x43: {  	[sflag:s13] =	ssyncset.done $0x0  }
0x44: {  	[sflag:s13] =	ssyncadd.s32 $0xFFFFF060  }
0x45: {  	[tilespmem:s17], [sflag:$0x1] =	stream.indirect.gather [spmem:s3], $0x1, s4, s16, $0xb8;
	[tilespmem:$0x6100] =	vst v63  }
0x46: {  	_ =	swait.ge [sflag:s18], $0xFA0  }
0x47: {  	[sflag:s18] =	ssyncset.done $0x0  }
0x48: {  	[sflag:s18] =	ssyncadd.s32 $0xFFFFF060  }
0x49: {  	[spmem:s2] =	stream.indirect.scatter.add.f32 [tilespmem:s17], [sflag:$0x2], $0x1, s15, s16, $0xb8;
	[tilespmem:$0x6100] =	vst v63  }
0x4a: {  	_ =	swait.ge [sflag:s19], $0xFA0  }
0x4b: {  	s22 =	sadd.s32 $0x1, s22;
	[sflag:s19] =	ssyncset.done $0x0  }
0x4c: {  	p0 =	sne.s32 s22, s8;
	[sflag:s19] =	ssyncadd.s32 $0xFFFFF060  }
.Ltmp1:
0x4d: {  	[bflag:$0x0] =	sbarrier.arrive $0xFFFF;
	(pc) =	sbr.rel @p0 .LBB2_1-.Ltmp1, $4  }
0x4e: {  	[hbm:s9@s20], [sflag:s6] =	dma.strided [spmem:s12@s21], $0x310, s18, $0x10   }
0x4f: {  	_ =	swait.ge [sflag:s13], $0x310  }
0x50: {  	[sflag:s13] =	ssyncset.done $0x0  }
0x51: {  	[sflag:s13] =	ssyncadd.s32 $0xFFFFFCF0  }
0x52: {  	_ =	sfence.sel $0x180000  }
0x53: {  	[bflag:$0x0] =	sbarrier.arrive $0xFFFF  }
0x54: {  	p0 =	sne.s32 s1, $0x0;
	_ =	strace $0x9000004D  }
0x55: {  	s0 =	sadd.s32 @!p0 $0x100000, s0;
	[bflag:$0x2] =	sbarrier.arrive $0xFFFF  }
0x56: {  	[sflag:s0] =	ssyncadd.tile.s32 @!p0 $0x1;
	_ =	shalt  }
.Lfunc_end2:
_tile_overlayer_lowered:
.L_overlay_start_2:
0x57: {  	(tag) =	ssettag $0x2  }
0x58: {  	s0 =	rddreg [dreg:$0x0];
	s2 =	stileid.u32  }
0x59: {  	s1 =	rddreg [dreg:$0x1];
	p0 =	sne.s32 s2, $0x0  }
0x5a: {  	s3 =	rddreg [dreg:$0x2];
	[bflag:$0x3] =	sbarrier.arrive $0xFFFF;
	s2 =	simm.s32 @!p0 $0x1C03  }
0x5b: {  	[timem:s3], [sflag:s2] =	dma.local @!p0 [hbm:s0], s1  }
0x5c: {  	s0 =	simm.s32 @!p0 $0x3  }
0x5d: {  	_ =	swait.ge @!p0 [sflag:s0], s1  }
0x5e: {  	s1 =	ssub.s32 @!p0 $0x0, s1;
	[sflag:s0] =	ssyncset.done @!p0 $0x0  }
0x5f: {  	[sflag:s0] =	ssyncadd.s32 @!p0 s1  }
0x60: {  	[bflag:$0x3] =	sbarrier.arrive $0xFFFF  }
0x61: {  	_ =	shalt  }

// kernel: kernel.8.cloned.1.call-start
scs
__scs_entry_jumppad:
0x0: {  	(pc) =	sbr.rel $0x88, $3  }
0x1: {  	(tag) =	ssettag $0x0;
	lr =	simm.s32 $0x1  }
0x2: {  	[smem:$0x3F9B] =	sst lr;
	_ =	strace $0xD0000000  }
0x3: {  	_ = 	snop  }
0x4: {  	_ = 	snop  }
0x5: {  	_ = 	snop  }
0x6: {  	_ = 	snop  }
0x7: {  	_ = 	snop  }
__scs_overlays_trampoline_lowered:
0x8: {  	[smem:$0x3FAA] =	sst s0  }
0x9: {  	[smem:$0x3FAB] =	sst s1  }
0xa: {  	[smem:$0x3FAC] =	sst s2  }
0xb: {  	[smem:$0x3FAD] =	sst s3  }
0xc: {  	[smem:$0x3FAE] =	sst s4  }
0xd: {  	[smem:$0x3FAF] =	sst s5  }
0xe: {  	[smem:$0x3FB0] =	sst s6  }
0xf: {  	[smem:$0x3FB1] =	sst s7  }
0x10: {  	[smem:$0x3FB2] =	sst s8  }
0x11: {  	[smem:$0x3FB3] =	sst s9;
	s0 =	simm.s32 @!p0 $0x0  }
0x12: {  	s1 =	sld [smem:$0x3F99];
	s0 =	simm.s32 @p0 $0x1  }
0x13: {  	[smem:$0x3FB4] =	sst s0;
	s0 =	simm.s32 @!p1 $0x0  }
0x14: {  	s2 =	sld [smem:$0x3F98];
	s0 =	simm.s32 @p1 $0x1  }
0x15: {  	[smem:$0x3FB5] =	sst s0;
	s0 =	simm.s32 @!p2 $0x0  }
0x16: {  	s3 =	sld [smem:$0x3FDB];
	s0 =	simm.s32 @p2 $0x1  }
0x17: {  	s4 =	simm.s32 $0x1BF5;
	[smem:$0x3FB7] =	sst s0  }
0x18: {  	s0 =	sld [smem:$0x3F9A];
	_ =	swait.ge [sflag:s4], $0x0  }
0x19: {  	s7 =	sld [smem:$0x3F9B]  }
0x1a: {  	s8 =	sadd.s32 $0xFFFFE003, lr  }
0x1b: {  	s9 =	sadd.s32 $0xFFFFFEF7, lr;
	s5 =	simm.s32 $0xFFFFFFFF;
	p2 =	slt.u32 s8, $0xFFFFF086  }
0x1c: {  	p1 =	slt.u32 s9, $0xF7A;
	s5 =	simm.s32 @!p2 $0x0  }
0x1d: {  	s5 =	simm.s32 @p1 $0x1;
	p0 =	seq.s32 s7, s2  }
0x1e: {  	s7 =	smul.u32 @!p0 $0xF7A, s2;
	p2 =	seq.s32 @!p0 s5, $0x0  }
0x1f: {  	s9 =	smul.u32 $0xF7A, s1;
	s8 =	simm.s32 @!p0 $0x1BF5;
	p2 =	por !p2, p0  }
0x20: {  	[sflag:s8] =	ssyncset.s32 @!p0 $0xFFFFF086;
	s6 =	sadd.s32 @!p0 s3, s7;
	s7 =	simm.s32 @!p0 $0x108  }
0x21: {  	s3 =	sadd.s32 s3, s9;
	s6 =	sadd.s32 @!p0 $0x88, s6;
	s7 =	simm.s32 @p2 $0x1082  }
0x22: {  	[simem:s7], [sflag:s8] =	dma.local @!p0 [hbm:s6], $0xF7A  }
0x23: {  	s9 =	sor.u32 $0xD0000000, s2;
	s6 =	simm.s32 $0x108;
	_ =	swait.ge @!p0 [sflag:s8], $0x0  }
0x24: {  	s3 =	sadd.s32 $0x88, s3;
	s6 =	simm.s32 @!p1 $0x1082;
	[sflag:s4] =	ssyncset.s32 $0xFFFFF086  }
0x25: {  	[simem:s6], [sflag:s4] =	dma.local [hbm:s3], $0xF7A  }
0x26: {  	[smem:$0x3F9B] =	sst s1;
	(tag) =	ssettag s2;
	_ =	strace s9  }
0x27: {  	s1 =	sld [smem:$0x3FAB]  }
0x28: {  	s2 =	sld [smem:$0x3FAC]  }
0x29: {  	s4 =	sld [smem:$0x3FAE]  }
0x2a: {  	p0 =	seq.s32 s5, $0x0;
	s5 =	sld [smem:$0x3FAF]  }
0x2b: {  	s6 =	sld [smem:$0x3FB0]  }
0x2c: {  	s7 =	sld [smem:$0x3FB1]  }
0x2d: {  	s3 =	simm.s32 $0x108;
	s8 =	sld [smem:$0x3FB2]  }
0x2e: {  	s3 =	simm.s32 @!p0 $0x1082;
	s9 =	sld [smem:$0x3FB3]  }
0x2f: {  	lr =	sadd.s32 s0, s3;
	s0 =	sld [smem:$0x3FAA]  }
0x30: {  	s3 =	sld [smem:$0x3FAD]  }
0x31: {  	[smem:$0x3FB6] =	sst s10  }
0x32: {  	s10 =	sld [smem:$0x3FB4];
	_ =	sdelay $0x3  }
0x33: {  	p0 =	seq.s32 s10, $0x1;
	s10 =	sld [smem:$0x3FB6];
	_ =	sdelay $0x3  }
0x34: {  	[smem:$0x3FB6] =	sst s10  }
0x35: {  	s10 =	sld [smem:$0x3FB5];
	_ =	sdelay $0x3  }
0x36: {  	p1 =	seq.s32 s10, $0x1;
	s10 =	sld [smem:$0x3FB6];
	_ =	sdelay $0x3  }
0x37: {  	[smem:$0x3FB6] =	sst s10  }
0x38: {  	s10 =	sld [smem:$0x3FB7]  }
0x39: {  	_ = 	snop;
	(pc) =	sbr.ind lr, $3  }
0x3a: {  	_ = 	snop  }
0x3b: {  	_ = 	snop  }
0x3c: {  	p2 =	seq.s32 s10, $0x1;
	s10 =	sld [smem:$0x3FB6]  }
0x3d: {  	_ =	shalt  }
0x3e: {  	_ =	shalt  }
0x3f: {  	_ =	shalt  }
0x40: {  	_ =	shalt  }
0x41: {  	_ =	shalt  }
0x42: {  	_ =	shalt  }
0x43: {  	_ =	shalt  }
0x44: {  	_ =	shalt  }
0x45: {  	_ =	shalt  }
0x46: {  	_ =	shalt  }
0x47: {  	_ =	shalt  }
0x48: {  	_ =	shalt  }
0x49: {  	_ =	shalt  }
0x4a: {  	_ =	shalt  }
0x4b: {  	_ =	shalt  }
0x4c: {  	_ =	shalt  }
0x4d: {  	_ =	shalt  }
0x4e: {  	_ =	shalt  }
0x4f: {  	_ =	shalt  }
0x50: {  	_ =	shalt  }
0x51: {  	_ =	shalt  }
0x52: {  	_ =	shalt  }
0x53: {  	_ =	shalt  }
0x54: {  	_ =	shalt  }
0x55: {  	_ =	shalt  }
0x56: {  	_ =	shalt  }
0x57: {  	_ =	shalt  }
0x58: {  	_ =	shalt  }
0x59: {  	_ =	shalt  }
0x5a: {  	_ =	shalt  }
0x5b: {  	_ =	shalt  }
0x5c: {  	_ =	shalt  }
0x5d: {  	_ =	shalt  }
0x5e: {  	_ =	shalt  }
0x5f: {  	_ =	shalt  }
0x60: {  	_ =	shalt  }
0x61: {  	_ =	shalt  }
0x62: {  	_ =	shalt  }
0x63: {  	_ =	shalt  }
0x64: {  	_ =	shalt  }
0x65: {  	_ =	shalt  }
0x66: {  	_ =	shalt  }
0x67: {  	_ =	shalt  }
0x68: {  	_ =	shalt  }
0x69: {  	_ =	shalt  }
0x6a: {  	_ =	shalt  }
0x6b: {  	_ =	shalt  }
0x6c: {  	_ =	shalt  }
0x6d: {  	_ =	shalt  }
0x6e: {  	_ =	shalt  }
0x6f: {  	_ =	shalt  }
0x70: {  	_ =	shalt  }
0x71: {  	_ =	shalt  }
0x72: {  	_ =	shalt  }
0x73: {  	_ =	shalt  }
0x74: {  	_ =	shalt  }
0x75: {  	_ =	shalt  }
0x76: {  	_ =	shalt  }
0x77: {  	_ =	shalt  }
0x78: {  	_ =	shalt  }
0x79: {  	_ =	shalt  }
0x7a: {  	_ =	shalt  }
0x7b: {  	_ =	shalt  }
0x7c: {  	_ =	shalt  }
0x7d: {  	_ =	shalt  }
0x7e: {  	_ =	shalt  }
0x7f: {  	_ =	shalt  }
0x80: {  	_ =	shalt  }
0x81: {  	_ =	shalt  }
0x82: {  	_ =	shalt  }
0x83: {  	_ =	shalt  }
0x84: {  	_ =	shalt  }
0x85: {  	_ =	shalt  }
0x86: {  	_ =	shalt  }
0x87: {  	_ =	shalt  }
.Lfunc_end0:
.L_simem_size_0:
called_computation_lowered:
.L_overlay_start_0:
0x88: {  	s2 =	sld [smem:$0x3FD9]  }
0x89: {  	s3 =	sld [smem:$0x3FFE];
	_ =	sdelay $0x1  }
0x8a: {  	s1 =	srdreg.scid  }
0x8b: {  	s0 =	sand.u32 $0x1, s1  }
0x8c: {  	s17 =	sshll.u32 s0, $0xA;
	s2 =	sadd.s32 s3, s2  }
0x8d: {  	s2 =	sadd.s32 s2, s17  }
0x8e: {  	[smem:$0x3FC2] =	sst s2  }
0x8f: {  	_ = 	snop  }
0x90: {  	s2 =	sld [smem:$0x3FD0];
	(tm) =	ssettm $0x1  }
0x91: {  	s18 =	sld [smem:$0x3FFB];
	_ =	sdelay $0x3  }
0x92: {  	_ =	strace s18  }
0x93: {  	s3 =	sld [smem:$0x3FFC];
	_ =	sdelay $0x3  }
0x94: {  	_ =	strace s3  }
0x95: {  	s3 =	sld [smem:$0x3FFD];
	_ =	sdelay $0x3  }
0x96: {  	_ =	strace s3  }
0x97: {  	_ =	strace $0x8FFFFFFF  }
0x98: {  	s19 =	sld [smem:$0x3FDB];
	_ =	sdelay $0x1  }
0x99: {  	s4 =	simm.s32 $_scs_section_size  }
0x9a: {  	s5 =	simm.s32 $_size__tile_overlayer_lowered;
	s6 =	simm.s32 $_tile_overlayer_lowered  }
0x9b: {  	s22 =	simm.s32 $0x1BFF;
	s21 =	sshll.u32 s6, $0x1;
	s3 =	sadd.s32 s4, s19  }
0x9c: {  	s7 =	simm.s32 $0x0;
	s20 =	sshll.u32 s5, $0x1;
	s5 =	sadd.s32 s21, s3  }
0x9d: {  	[timem:s7], [sflag:s22] =	dma.local [hbm:s5], s20  }
0x9e: {  	_ =	swait.ge [sflag:s22], s20  }
0x9f: {  	s4 =	ssub.s32 $0x0, s20;
	[sflag:s22] =	ssyncset.done $0x0  }
0xa0: {  	[sflag:s22] =	ssyncadd.s32 s4;
	_ =	sdelay $0x1  }
0xa1: {  	s23 =	simm.s32 $0x1B8B  }
0xa2: {  	_ =	swait.ge [sflag:s23], $0x1  }
0xa3: {  	[sflag:s23] =	ssyncset.done $0x0  }
0xa4: {  	s25 =	simm.s32 $0x1B8E;
	s24 =	sld [smem:$0x3FFE];
	[sflag:s23] =	ssyncadd.s32 $0xFFFFFFFF  }
0xa5: {  	s26 =	simm.s32 $execute0_lowered;
	[smem:$0x3FD2] =	sst s25  }
0xa6: {  	s5 =	sshll.u32 s26, $0x1;
	_ =	strace $0x80000046;
	[dreg:$0x1] =	wrdreg $0xFFFFFFFF  }
0xa7: {  	s28 =	simm.s32 $_size_execute0_lowered;
	s3 =	sadd.s32 s3, s5;
	[dreg:$0x0] =	wrdreg $0x0  }
0xa8: {  	s5 =	sshll.u32 s28, $0x1;
	[dreg:$0x2] =	wrdreg s3  }
0xa9: {  	[dreg:$0x3] =	wrdreg s5  }
0xaa: {  	[dreg:$0x4] =	wrdreg $0xC0  }
0xab: {  	_ =	task [dreg:s7], $0x5FFFF  }
0xac: {  	[dreg:$0x1] =	wrdreg $0xFFFFFFFF  }
0xad: {  	[dreg:$0x0] =	wrdreg $0x60  }
0xae: {  	[dreg:$0x2] =	wrdreg s24  }
0xaf: {  	[dreg:$0x3] =	wrdreg s2  }
0xb0: {  	[dreg:$0x4] =	wrdreg $0x20000  }
0xb1: {  	[dreg:$0x5] =	wrdreg $0x9  }
0xb2: {  	_ =	task.clear_ibuf [dreg:s7], $0x6FFFF;
	_ =	strace $0x90000046  }
0xb3: {  	s29 =	simm.s32 $0x9;
	_ =	strace $0x80000048  }
0xb4: {  	_ =	swait.ge [sflag:s29], $0x1  }
0xb5: {  	[sflag:s29] =	ssyncadd.s32 $0xFFFFFFFF  }
0xb6: {  	_ =	strace $0x90000048  }
0xb7: {  	_ =	sfence  }
0xb8: {  	s30 =	sld [smem:$0x0];
	_ =	sdelay $0x2  }
0xb9: {  	s31 =	sshll.u32 s1, $0xD;
	s1 =	sshrl.u32 s1, $0x2  }
0xba: {  	s3 =	sand.u32 $0x4000, s31;
	s1 =	sadd.s32 s1, s30  }
0xbb: {  	s0 =	sor.u32 s3, s0;
	s1 =	sshll.u32 s1, $0x11  }
0xbc: {  	s0 =	sor.u32 s1, s0  }
0xbd: {  	s0 =	sadd.s32 $0x8F2B, s0  }
0xbe: {  	[sflag:s0] =	ssyncadd.remote.s32 $0x1  }
0xbf: {  	_ =	sfence.sel $0xFFFF  }
0xc0: {  	[dreg:$0x0] =	wrdreg $0xFFFFFFFF;
	(pc) =	sbr.abs _section_cstart, $3  }
0xc1: {  	[dreg:$0x1] =	wrdreg $0xFFFFFFFF  }
0xc2: {  	_ =	task.clear_ibuf [dreg:s7], $0x2FFFF;
	_ =	strace $0x9FFFFFFF  }
0xc3: {  	(tm) =	ssettm $0x7FFFFFFF  }
tec
execute0_lowered:
.L_overlay_start_1:
0x0: {  	(tag) =	ssettag $0x1  }
0x1: {  	s5 =	rddreg [dreg:$0x0]  }
0x2: {  	s2 =	rddreg [dreg:$0x1]  }
0x3: {  	s3 =	rddreg [dreg:$0x2]  }
0x4: {  	s1 =	stileid.u32;
	s0 =	rddreg [dreg:$0x3];
	s4 =	simm.s32 $0x0  }
0x5: {  	s9 =	srdreg.scid;
	s14 =	simm.s32 $0x20;
	s15 =	simm.s32 $0x10  }
0x6: {  	s16 =	simm.s32 $0x0;
	s6 =	smul.u32 $0x1880, s1;
	[smem:$0x7FF] =	sst s4  }
0x7: {  	s7 =	smul.u32 $0xC350, s1;
	s10 =	sand.u32 $0x1, s9;
	s9 =	sshll.u32 s9, $0x4  }
0x8: {  	s12 =	smul.u32 $0x620, s1;
	s31 =	sshll.u32 s1, $0x6;
	_ =	strace $0x80000047  }
0x9: {  	s11 =	ssub.s32 $0x2, s10;
	s9 =	sand.u32 $0x10, s9;
	s10 =	smul.u32 $0x61A8, s10  }
0xa: {  	s8 =	sshrl.u32 s6, $0x3;
	s7 =	sadd.s32 s7, s5;
	s13 =	sshrl.u32 s11, $0x1  }
0xb: {  	s9 =	sadd.s32 s9, s5;
	s28 =	sadd.s32 s6, s3;
	s8 =	sadd.s32 s8, s5  }
0xc: {  	s11 =	ssub.s32 s11, s13;
	s29 =	sadd.s32 s12, s9;
	s30 =	sadd.s32 s10, s7  }
0xd: {  	s9 =	simm.s32 $0x1000;
	s10 =	simm.s32 $0x1;
	s12 =	sshrl.u32 s28, $0x3  }
0xe: {  	s13 =	simm.s32 $0xFA0;
	s5 =	sadd.s32 $0x189000, s8;
	s6 =	smax.u32 s11, $0x1  }
0xf: {  	s7 =	sadd.s32 $0x18C200, s29;
	s8 =	sadd.s32 $0x2400, s30;
	s11 =	sor.u32 $0x1C01, s31  }
.LBB2_1:
0x10: {  	[tilespmem:s9], [sflag:$0x1] =	stream.linear.gather [hbm4b:s2+s4], $0x1000, $0x38;
	[tilespmem:$0x3880] =	vst v63  }
0x11: {  	_ =	swait.ge [sflag:s10], $0x1000  }
0x12: {  	[sflag:s10] =	ssyncset.done $0x0  }
0x13: {  	[sflag:s10] =	ssyncadd.s32 $0xFFFFF000  }
0x14: {  	[spmem:s12], [sflag:s11] =	dma.local [hbm:s5], $0x310  }
0x15: {  	_ =	swait.ge [sflag:s10], $0x310  }
0x16: {  	[sflag:s10] =	ssyncset.done $0x0  }
0x17: {  	[sflag:s10] =	ssyncadd.s32 $0xFFFFFCF0  }
0x18: {  	s17 =	sadd.s32 $0x0, s8;
	[bflag:$0x0] =	sbarrier.arrive $0xFFFF  }
0x19: {  	[tilespmem:s4], [sflag:$0x1] =	stream.linear.gather [hbm4b:s17+s4], $0xFA0, $0x38;
	[tilespmem:$0x3880] =	vst v63  }
0x1a: {  	_ =	swait.ge [sflag:s10], $0xFA0  }
0x1b: {  	[sflag:s10] =	ssyncset.done $0x0  }
0x1c: {  	[sflag:s10] =	ssyncadd.s32 $0xFFFFF060  }
0x1d: {  	[spmem:s3] =	stream.indirect.scatter.add.f32 [tilespmem:s9], [sflag:$0x1], $0x1, s4, s13, $0xb8;
	[tilespmem:$0x3880] =	vst v63  }
0x1e: {  	_ =	swait.ge [sflag:s10], $0xFA0  }
0x1f: {  	s18 =	simm.s32 $0x3E8;
	s17 =	simm.s32 $0x1F4;
	[sflag:s10] =	ssyncset.done $0x0  }
.LBB2_2:
0x20: {  	s19 =	sadd.s32 s17, s8  }
0x21: {  	[sflag:s10] =	ssyncadd.s32 $0xFFFFF060;
	s17 =	smov.u32 s18;
	s20 =	sadd.s32 $0x1F4, s18  }
0x22: {  	[tilespmem:s4], [sflag:$0x1] =	stream.linear.gather [hbm4b:s19+s4], $0xFA0, $0x38;
	[tilespmem:$0x3880] =	vst v63  }
0x23: {  	p0 =	sne.s32 s18, $0x5FB4;
	_ =	swait.ge [sflag:s10], $0xFA0  }
.Ltmp0:
0x24: {  	[sflag:s10] =	ssyncset.done $0x0;
	(pc) =	sbr.rel @p0 .LBB2_2-.Ltmp0, $4  }
0x25: {  	[sflag:s10] =	ssyncadd.s32 $0xFFFFF060  }
0x26: {  	[spmem:s3] =	stream.indirect.scatter.add.f32 [tilespmem:s9], [sflag:$0x1], $0x1, s4, s13, $0xb8;
	[tilespmem:$0x3880] =	vst v63  }
0x27: {  	_ =	swait.ge [sflag:s10], $0xFA0  }
0x28: {  	s18 =	smov.u32 s20;
	[sflag:s10] =	ssyncset.done $0x0  }
0x29: {  	s17 =	sadd.s32 s17, s8;
	[sflag:s10] =	ssyncadd.s32 $0xFFFFF060  }
0x2a: {  	[tilespmem:s4], [sflag:$0x1] =	stream.linear.gather [hbm4b:s17+s4], $0xFA0, $0x38;
	[tilespmem:$0x3880] =	vst v63  }
0x2b: {  	_ =	swait.ge [sflag:s10], $0xFA0  }
0x2c: {  	[sflag:s10] =	ssyncset.done $0x0  }
0x2d: {  	[sflag:s10] =	ssyncadd.s32 $0xFFFFF060  }
0x2e: {  	[spmem:s3] =	stream.indirect.scatter.add.f32 [tilespmem:s9], [sflag:$0x1], $0x1, s4, s13, $0xb8;
	[tilespmem:$0x3880] =	vst v63  }
0x2f: {  	_ =	swait.ge [sflag:s10], $0xFA0  }
0x30: {  	s16 =	sadd.s32 $0x1, s16;
	[sflag:s10] =	ssyncset.done $0x0  }
0x31: {  	p0 =	sne.s32 s16, s6;
	[sflag:s10] =	ssyncadd.s32 $0xFFFFF060  }
.Ltmp1:
0x32: {  	[bflag:$0x0] =	sbarrier.arrive $0xFFFF;
	(pc) =	sbr.rel @p0 .LBB2_1-.Ltmp1, $4  }
0x33: {  	[hbm:s7@s14], [sflag:s11] =	dma.strided [spmem:s12@s15], $0x310, s10, $0x10   }
0x34: {  	_ =	swait.ge [sflag:s10], $0x310  }
0x35: {  	[sflag:s10] =	ssyncset.done $0x0  }
0x36: {  	[sflag:s10] =	ssyncadd.s32 $0xFFFFFCF0  }
0x37: {  	_ =	sfence.sel $0x180000  }
0x38: {  	[bflag:$0x0] =	sbarrier.arrive $0xFFFF  }
0x39: {  	p0 =	sne.s32 s1, $0x0;
	_ =	strace $0x90000047  }
0x3a: {  	s0 =	sadd.s32 @!p0 $0x100000, s0;
	[bflag:$0x2] =	sbarrier.arrive $0xFFFF  }
0x3b: {  	[sflag:s0] =	ssyncadd.tile.s32 @!p0 $0x1;
	_ =	shalt  }
.Lfunc_end2:
_tile_overlayer_lowered:
.L_overlay_start_2:
0x3c: {  	(tag) =	ssettag $0x2  }
0x3d: {  	s0 =	rddreg [dreg:$0x0];
	s2 =	stileid.u32  }
0x3e: {  	s1 =	rddreg [dreg:$0x1];
	p0 =	sne.s32 s2, $0x0  }
0x3f: {  	s3 =	rddreg [dreg:$0x2];
	[bflag:$0x3] =	sbarrier.arrive $0xFFFF;
	s2 =	simm.s32 @!p0 $0x1C01  }
0x40: {  	[timem:s3], [sflag:s2] =	dma.local @!p0 [hbm:s0], s1  }
0x41: {  	s0 =	simm.s32 @!p0 $0x1  }
0x42: {  	_ =	swait.ge @!p0 [sflag:s0], s1  }
0x43: {  	s1 =	ssub.s32 @!p0 $0x0, s1;
	[sflag:s0] =	ssyncset.done @!p0 $0x0  }
0x44: {  	[sflag:s0] =	ssyncadd.s32 @!p0 s1  }
0x45: {  	[bflag:$0x3] =	sbarrier.arrive $0xFFFF  }
0x46: {  	_ =	shalt  }

</sc_bundles>
